<compile_context>
chip_gen: v7x
topology: tpu7x:2x2x1
jax: 0.10.2.dev20260603
libtpu: 0.0.44.dev20260713+nightly
codegen_flags: <defaults>
</compile_context>

<pallas_src>
import functools

import jax
import jax.numpy as jnp
from jax import lax
from jax.experimental import pallas as pl
from jax.experimental.pallas import tpu as pltpu
from jax.experimental.pallas import tpu_sc as plsc

_K = 1024
_D = 64
_TILE_M = 4096
_KC = 512
_COMMIT = 0.25
_CHUNKS = 1

_info = plsc.get_sparse_core_info()
_NC, _NS, _L = _info.num_cores, _info.num_subcores, _info.num_lanes
_NW = _NC * _NS
_GATHER_CHUNK = 128
_STORE_CHUNK = 512


def _vq_tc_body(n_total, z_ref, e_ref, idx_ref, loss_ref, acc_ref, d_ref):
    z = z_ref[...]
    e = e_ref[...]
    row_sq = jnp.sum(z * z, axis=1, keepdims=True)
    e_sq = jnp.sum(e * e, axis=1)
    m_run = None
    for c in range(_K // _KC):
        e_c = e[c * _KC:(c + 1) * _KC, :]
        mm_c = lax.dot_general(z, e_c, (((1,), (1,)), ((), ())),
                               preferred_element_type=jnp.float32)
        d_c = (row_sq + e_sq[c * _KC:(c + 1) * _KC]) - 2.0 * mm_c
        d_ref[:, c * _KC:(c + 1) * _KC] = d_c
        m_run = d_c if c == 0 else jnp.minimum(m_run, d_c)
    min_d = jnp.min(m_run, axis=1, keepdims=True)
    d = d_ref[...]
    k_iota = lax.broadcasted_iota(jnp.int32, d.shape, 1).astype(jnp.float32)
    idx = jnp.min(jnp.where(d == min_d, k_iota, float(_K)), axis=1,
                  keepdims=True)
    idx_ref[...] = idx.astype(jnp.int32)

    @pl.when(pl.program_id(0) == 0)
    def _():
        acc_ref[...] = jnp.zeros_like(acc_ref)
    acc_ref[...] += min_d

    @pl.when(pl.program_id(0) == pl.num_programs(0) - 1)
    def _():
        loss_ref[...] = jnp.sum(acc_ref[...], keepdims=True).reshape(1, 1) * (
            (1.0 + _COMMIT) / n_total)


def _sc_gather_body(idx_rows_per_w, table_hbm, idx_hbm, out_hbm,
                    idx_v, rows_v, sem):
    wid = lax.axis_index("s") * _NC + lax.axis_index("c")
    base_idx_row = wid * idx_rows_per_w
    base_tok = base_idx_row * 8 * _L
    pltpu.sync_copy(idx_hbm.at[pl.ds(base_tok, idx_rows_per_w * 8 * _L)], idx_v)
    n_inner = _STORE_CHUNK // _GATHER_CHUNK
    for c in range(idx_rows_per_w // n_inner):
        copies = []
        for j in range(n_inner):
            copies.append(pltpu.async_copy(
                table_hbm.at[idx_v.at[pl.ds((c * n_inner + j) * _GATHER_CHUNK,
                                            _GATHER_CHUNK)]],
                rows_v.at[pl.ds(j * _GATHER_CHUNK, _GATHER_CHUNK)],
                sem))
        for cp in copies:
            cp.wait()
        tok0 = base_tok + c * _STORE_CHUNK
        pltpu.sync_copy(
            rows_v, out_hbm.at[tok0 // 1024, pl.ds(tok0 % 1024, _STORE_CHUNK)])


def kernel(z, embedding_weight):
    B, T, D = z.shape
    M = B * T
    z_flat = z.reshape(M, D)
    Mc = M // _CHUNKS
    tiles_per_chunk = Mc // _TILE_M
    idx_rows_per_w = Mc // _NW // (8 * _L)

    mesh = plsc.VectorSubcoreMesh(core_axis_name="c", subcore_axis_name="s")
    gather = pl.kernel(
        functools.partial(_sc_gather_body, idx_rows_per_w), mesh=mesh,
        out_type=jax.ShapeDtypeStruct((Mc // 1024, 1024, _D), jnp.float32),
        scratch_types=[
            pltpu.VMEM((idx_rows_per_w * 8 * _L,), jnp.int32),
            pltpu.VMEM((_STORE_CHUNK, _D), jnp.float32),
            pltpu.SemaphoreType.DMA,
        ],
        compiler_params=pltpu.CompilerParams(use_tc_tiling_on_sc=False),
    )

    zq_parts, idx_parts, loss_parts = [], [], []
    for c in range(_CHUNKS):
        tile0 = c * tiles_per_chunk
        idx3, loss_c = pl.pallas_call(
            functools.partial(_vq_tc_body, M * _D),
            grid=(tiles_per_chunk,),
            in_specs=[
                pl.BlockSpec((_TILE_M, D), lambda i, t0=tile0: (t0 + i, 0)),
                pl.BlockSpec((_K, D), lambda i: (0, 0)),
            ],
            out_specs=[
                pl.BlockSpec((_TILE_M, 1), lambda i: (i, 0)),
                pl.BlockSpec((1, 1), lambda i: (0, 0)),
            ],
            out_shape=[
                jax.ShapeDtypeStruct((Mc, 1), jnp.int32),
                jax.ShapeDtypeStruct((1, 1), jnp.float32),
            ],
            scratch_shapes=[pltpu.VMEM((_TILE_M, 1), jnp.float32),
                            pltpu.VMEM((_TILE_M, _K), jnp.float32)],
            compiler_params=pltpu.CompilerParams(
                dimension_semantics=("arbitrary",)),
        )(z_flat, embedding_weight)

        idx_c = idx3.reshape(Mc)
        zq_parts.append(gather(embedding_weight, idx_c))
        idx_parts.append(idx_c)
        loss_parts.append(loss_c[0, 0])

    zq = zq_parts[0] if _CHUNKS == 1 else jnp.concatenate(zq_parts, axis=0)
    idx_flat = (jnp.concatenate(idx_parts) if _CHUNKS > 1 else idx_parts[0])
    loss = sum(loss_parts)
    return zq, loss, idx_flat

# --- scband reference (transcript-rebuilt; emitter-appended) ---
"""Pipeline reference for scband-vector-quantizer-15006615733662 (READ-ONLY COPY).

The authoritative reference and input builder live on the scoring server;
editing this copy changes nothing except your own understanding.
"""

import jax, jax.numpy as jnp
import numpy as np

NUM_EMBEDDINGS = 1024
EMBEDDING_DIM = 64
COMMITMENT_COST = 0.25

def setup_inputs(seed: int = 0) -> dict:
    key = jax.random.key(seed)
    k1, k2 = jax.random.split(key)
    z = jax.random.normal(k1, (64, 1024, EMBEDDING_DIM), dtype=jnp.float32)
    embedding_weight = jax.random.uniform(
        k2, (NUM_EMBEDDINGS, EMBEDDING_DIM), dtype=jnp.float32,
        minval=-1.0 / NUM_EMBEDDINGS, maxval=1.0 / NUM_EMBEDDINGS)
    return {"z": z, "embedding_weight": embedding_weight}

def reference(z, embedding_weight):
    # z: [B, T, D], embedding_weight: [K, D]
    z_flat = z.reshape(-1, EMBEDDING_DIM)
    d = (jnp.sum(z_flat ** 2, axis=1, keepdims=True)
         + jnp.sum(embedding_weight ** 2, axis=1)
         - 2.0 * jnp.matmul(z_flat, embedding_weight.T))
    min_encoding_indices = jnp.argmin(d, axis=1)
    z_q = jnp.take(embedding_weight, min_encoding_indices, axis=0).reshape(z.shape)
    loss = (jnp.mean((jax.lax.stop_gradient(z_q) - z) ** 2)
            + COMMITMENT_COST * jnp.mean((z_q - jax.lax.stop_gradient(z)) ** 2))
    z_q_st = z + jax.lax.stop_gradient(z_q - z)
    return (z_q_st, loss, min_encoding_indices)

if __name__ == "__main__":
    import jax
    _d = setup_inputs()
    print(jax.jit(kernel)(*tuple(_d.values())))

</pallas_src>

<mosaic_0001>
#map = affine_map<(d0, d1) -> (0, 0)>
#map1 = affine_map<(d0, d1) -> (0)>
#map2 = affine_map<(d0, d1) -> (0, 0, 0)>
module attributes {stable_mosaic.version = 14 : i64} {
  func.func @_sc_gather_body(%arg0: i32, %arg1: i32, %arg2: memref<1024x64xf32, #tpu.memory_space<hbm>>, %arg3: memref<65536xi32, #tpu.memory_space<hbm>>, %arg4: memref<64x1024x64xf32, #tpu.memory_space<hbm>>, %arg5: memref<2048xi32, #tpu.memory_space<vmem>>, %arg6: memref<512x64xf32, #tpu.memory_space<vmem>>, %arg7: memref<!tpu.dma_semaphore, #tpu.memory_space<semaphore_mem>>) attributes {dimension_semantics = [#tpu.dimension_semantics<core_parallel>, #tpu.dimension_semantics<subcore_parallel>], iteration_bounds = array<i64: 2, 16>, scalar_prefetch = 0 : i64, scratch_operands = 3 : i64, tpu.core_type = #tpu.core_type<sc_vector_subcore>, window_params = [{transform_indices = #map}, {transform_indices = #map1}, {transform_indices = #map2}]} {
    %mul3A = arith.constant 2 : i32
    %mul3A_0 = arith.muli %arg1, %mul3A : i32
    %add3A = arith.addi %mul3A_0, %arg0 : i32
    %mul3A_1 = arith.constant 16 : i32
    %mul3A_2 = arith.muli %add3A, %mul3A_1 : i32
    %mul3A_3 = arith.constant 8 : i32
    %mul3A_4 = arith.muli %mul3A_2, %mul3A_3 : i32
    %mul3A_5 = arith.constant 16 : i32
    %mul3A_6 = arith.muli %mul3A_4, %mul3A_5 : i32
    "tpu.region"() ({
      %run_scoped3A = tpu.sem_alloc : memref<!tpu.dma_semaphore, #tpu.memory_space<semaphore_mem>>
      %dma_start3A_419 = tpu.memref_slice %arg3[%mul3A_6] : memref<65536xi32, #tpu.memory_space<hbm>> -> memref<2048xi32, #tpu.memory_space<hbm>>
      %dma_start3A_420 = tpu.memref_slice %arg3[%mul3A_6] : memref<65536xi32, #tpu.memory_space<hbm>> -> memref<2048xi32, #tpu.memory_space<hbm>>
      tpu.enqueue_dma source(%dma_start3A_420 : memref<2048xi32, #tpu.memory_space<hbm>>) target(%arg5 : memref<2048xi32, #tpu.memory_space<vmem>>) target_semaphore(%run_scoped3A : memref<!tpu.dma_semaphore, #tpu.memory_space<semaphore_mem>>)
      %dma_wait3A_421 = tpu.memref_slice %arg3[%mul3A_6] : memref<65536xi32, #tpu.memory_space<hbm>> -> memref<2048xi32, #tpu.memory_space<hbm>>
      %dma_wait3A_422 = tpu.memref_slice %arg3[%mul3A_6] : memref<65536xi32, #tpu.memory_space<hbm>> -> memref<2048xi32, #tpu.memory_space<hbm>>
      tpu.wait_dma2 semaphore(%run_scoped3A : memref<!tpu.dma_semaphore, #tpu.memory_space<semaphore_mem>>) src(%dma_wait3A_422 : memref<2048xi32, #tpu.memory_space<hbm>>) dst(%arg5 : memref<2048xi32, #tpu.memory_space<vmem>>)
      tpu.yield
    }) : () -> ()
    %dma_start3A = arith.constant 0 : i32
    %dma_start3A_7 = arith.constant 0 : i32
    %dma_start3A_8 = tpu.memref_slice %arg6[%dma_start3A, %dma_start3A_7] : memref<512x64xf32, #tpu.memory_space<vmem>> -> memref<128x64xf32, #tpu.memory_space<vmem>>
    %dma_start3A_9 = arith.constant 0 : i32
    %dma_start3A_10 = tpu.memref_slice %arg5[%dma_start3A_9] : memref<2048xi32, #tpu.memory_space<vmem>> -> memref<128xi32, #tpu.memory_space<vmem>>
    %dma_start3A_11 = arith.constant 0 : i32
    %dma_start3A_12 = arith.constant 0 : i32
    %dma_start3A_13 = tpu.memref_slice %arg2[%dma_start3A_11, %dma_start3A_12] : memref<1024x64xf32, #tpu.memory_space<hbm>> -> memref<1024x64xf32, #tpu.memory_space<hbm>>
    tpu.enqueue_indirect_dma source(%dma_start3A_13 : memref<1024x64xf32, #tpu.memory_space<hbm>>) target(%dma_start3A_8 : memref<128x64xf32, #tpu.memory_space<vmem>>) offsets(%dma_start3A_10 : memref<128xi32, #tpu.memory_space<vmem>>) semaphore(%arg7 : memref<!tpu.dma_semaphore, #tpu.memory_space<semaphore_mem>>)
    %dma_start3A_14 = arith.constant 128 : i32
    %dma_start3A_15 = arith.constant 0 : i32
    %dma_start3A_16 = tpu.memref_slice %arg6[%dma_start3A_14, %dma_start3A_15] : memref<512x64xf32, #tpu.memory_space<vmem>> -> memref<128x64xf32, #tpu.memory_space<vmem>>
    %dma_start3A_17 = arith.constant 128 : i32
    %dma_start3A_18 = tpu.memref_slice %arg5[%dma_start3A_17] : memref<2048xi32, #tpu.memory_space<vmem>> -> memref<128xi32, #tpu.memory_space<vmem>>
    %dma_start3A_19 = arith.constant 0 : i32
    %dma_start3A_20 = arith.constant 0 : i32
    %dma_start3A_21 = tpu.memref_slice %arg2[%dma_start3A_19, %dma_start3A_20] : memref<1024x64xf32, #tpu.memory_space<hbm>> -> memref<1024x64xf32, #tpu.memory_space<hbm>>
    tpu.enqueue_indirect_dma source(%dma_start3A_21 : memref<1024x64xf32, #tpu.memory_space<hbm>>) target(%dma_start3A_16 : memref<128x64xf32, #tpu.memory_space<vmem>>) offsets(%dma_start3A_18 : memref<128xi32, #tpu.memory_space<vmem>>) semaphore(%arg7 : memref<!tpu.dma_semaphore, #tpu.memory_space<semaphore_mem>>)
    %dma_start3A_22 = arith.constant 256 : i32
    %dma_start3A_23 = arith.constant 0 : i32
    %dma_start3A_24 = tpu.memref_slice %arg6[%dma_start3A_22, %dma_start3A_23] : memref<512x64xf32, #tpu.memory_space<vmem>> -> memref<128x64xf32, #tpu.memory_space<vmem>>
    %dma_start3A_25 = arith.constant 256 : i32
    %dma_start3A_26 = tpu.memref_slice %arg5[%dma_start3A_25] : memref<2048xi32, #tpu.memory_space<vmem>> -> memref<128xi32, #tpu.memory_space<vmem>>
    %dma_start3A_27 = arith.constant 0 : i32
    %dma_start3A_28 = arith.constant 0 : i32
    %dma_start3A_29 = tpu.memref_slice %arg2[%dma_start3A_27, %dma_start3A_28] : memref<1024x64xf32, #tpu.memory_space<hbm>> -> memref<1024x64xf32, #tpu.memory_space<hbm>>
    tpu.enqueue_indirect_dma source(%dma_start3A_29 : memref<1024x64xf32, #tpu.memory_space<hbm>>) target(%dma_start3A_24 : memref<128x64xf32, #tpu.memory_space<vmem>>) offsets(%dma_start3A_26 : memref<128xi32, #tpu.memory_space<vmem>>) semaphore(%arg7 : memref<!tpu.dma_semaphore, #tpu.memory_space<semaphore_mem>>)
    %dma_start3A_30 = arith.constant 384 : i32
    %dma_start3A_31 = arith.constant 0 : i32
    %dma_start3A_32 = tpu.memref_slice %arg6[%dma_start3A_30, %dma_start3A_31] : memref<512x64xf32, #tpu.memory_space<vmem>> -> memref<128x64xf32, #tpu.memory_space<vmem>>
    %dma_start3A_33 = arith.constant 384 : i32
    %dma_start3A_34 = tpu.memref_slice %arg5[%dma_start3A_33] : memref<2048xi32, #tpu.memory_space<vmem>> -> memref<128xi32, #tpu.memory_space<vmem>>
    %dma_start3A_35 = arith.constant 0 : i32
    %dma_start3A_36 = arith.constant 0 : i32
    %dma_start3A_37 = tpu.memref_slice %arg2[%dma_start3A_35, %dma_start3A_36] : memref<1024x64xf32, #tpu.memory_space<hbm>> -> memref<1024x64xf32, #tpu.memory_space<hbm>>
    tpu.enqueue_indirect_dma source(%dma_start3A_37 : memref<1024x64xf32, #tpu.memory_space<hbm>>) target(%dma_start3A_32 : memref<128x64xf32, #tpu.memory_space<vmem>>) offsets(%dma_start3A_34 : memref<128xi32, #tpu.memory_space<vmem>>) semaphore(%arg7 : memref<!tpu.dma_semaphore, #tpu.memory_space<semaphore_mem>>)
    %dma_wait3A = arith.constant 0 : i32
    %dma_wait3A_38 = arith.constant 0 : i32
    %dma_wait3A_39 = tpu.memref_slice %arg6[%dma_wait3A, %dma_wait3A_38] : memref<512x64xf32, #tpu.memory_space<vmem>> -> memref<128x64xf32, #tpu.memory_space<vmem>>
    %dma_wait3A_40 = arith.constant 0 : i32
    %dma_wait3A_41 = tpu.memref_slice %arg5[%dma_wait3A_40] : memref<2048xi32, #tpu.memory_space<vmem>> -> memref<128xi32, #tpu.memory_space<vmem>>
    %dma_wait3A_42 = arith.constant 0 : i32
    %dma_wait3A_43 = arith.constant 0 : i32
    %dma_wait3A_44 = tpu.memref_slice %arg2[%dma_wait3A_42, %dma_wait3A_43] : memref<1024x64xf32, #tpu.memory_space<hbm>> -> memref<1024x64xf32, #tpu.memory_space<hbm>>
    tpu.wait_indirect_dma semaphore(%arg7 : memref<!tpu.dma_semaphore, #tpu.memory_space<semaphore_mem>>) src(%dma_wait3A_44 : memref<1024x64xf32, #tpu.memory_space<hbm>>) dst(%dma_wait3A_39 : memref<128x64xf32, #tpu.memory_space<vmem>>)
    %dma_wait3A_45 = arith.constant 128 : i32
    %dma_wait3A_46 = arith.constant 0 : i32
    %dma_wait3A_47 = tpu.memref_slice %arg6[%dma_wait3A_45, %dma_wait3A_46] : memref<512x64xf32, #tpu.memory_space<vmem>> -> memref<128x64xf32, #tpu.memory_space<vmem>>
    %dma_wait3A_48 = arith.constant 128 : i32
    %dma_wait3A_49 = tpu.memref_slice %arg5[%dma_wait3A_48] : memref<2048xi32, #tpu.memory_space<vmem>> -> memref<128xi32, #tpu.memory_space<vmem>>
    %dma_wait3A_50 = arith.constant 0 : i32
    %dma_wait3A_51 = arith.constant 0 : i32
    %dma_wait3A_52 = tpu.memref_slice %arg2[%dma_wait3A_50, %dma_wait3A_51] : memref<1024x64xf32, #tpu.memory_space<hbm>> -> memref<1024x64xf32, #tpu.memory_space<hbm>>
    tpu.wait_indirect_dma semaphore(%arg7 : memref<!tpu.dma_semaphore, #tpu.memory_space<semaphore_mem>>) src(%dma_wait3A_52 : memref<1024x64xf32, #tpu.memory_space<hbm>>) dst(%dma_wait3A_47 : memref<128x64xf32, #tpu.memory_space<vmem>>)
    %dma_wait3A_53 = arith.constant 256 : i32
    %dma_wait3A_54 = arith.constant 0 : i32
    %dma_wait3A_55 = tpu.memref_slice %arg6[%dma_wait3A_53, %dma_wait3A_54] : memref<512x64xf32, #tpu.memory_space<vmem>> -> memref<128x64xf32, #tpu.memory_space<vmem>>
    %dma_wait3A_56 = arith.constant 256 : i32
    %dma_wait3A_57 = tpu.memref_slice %arg5[%dma_wait3A_56] : memref<2048xi32, #tpu.memory_space<vmem>> -> memref<128xi32, #tpu.memory_space<vmem>>
    %dma_wait3A_58 = arith.constant 0 : i32
    %dma_wait3A_59 = arith.constant 0 : i32
    %dma_wait3A_60 = tpu.memref_slice %arg2[%dma_wait3A_58, %dma_wait3A_59] : memref<1024x64xf32, #tpu.memory_space<hbm>> -> memref<1024x64xf32, #tpu.memory_space<hbm>>
    tpu.wait_indirect_dma semaphore(%arg7 : memref<!tpu.dma_semaphore, #tpu.memory_space<semaphore_mem>>) src(%dma_wait3A_60 : memref<1024x64xf32, #tpu.memory_space<hbm>>) dst(%dma_wait3A_55 : memref<128x64xf32, #tpu.memory_space<vmem>>)
    %dma_wait3A_61 = arith.constant 384 : i32
    %dma_wait3A_62 = arith.constant 0 : i32
    %dma_wait3A_63 = tpu.memref_slice %arg6[%dma_wait3A_61, %dma_wait3A_62] : memref<512x64xf32, #tpu.memory_space<vmem>> -> memref<128x64xf32, #tpu.memory_space<vmem>>
    %dma_wait3A_64 = arith.constant 384 : i32
    %dma_wait3A_65 = tpu.memref_slice %arg5[%dma_wait3A_64] : memref<2048xi32, #tpu.memory_space<vmem>> -> memref<128xi32, #tpu.memory_space<vmem>>
    %dma_wait3A_66 = arith.constant 0 : i32
    %dma_wait3A_67 = arith.constant 0 : i32
    %dma_wait3A_68 = tpu.memref_slice %arg2[%dma_wait3A_66, %dma_wait3A_67] : memref<1024x64xf32, #tpu.memory_space<hbm>> -> memref<1024x64xf32, #tpu.memory_space<hbm>>
    tpu.wait_indirect_dma semaphore(%arg7 : memref<!tpu.dma_semaphore, #tpu.memory_space<semaphore_mem>>) src(%dma_wait3A_68 : memref<1024x64xf32, #tpu.memory_space<hbm>>) dst(%dma_wait3A_63 : memref<128x64xf32, #tpu.memory_space<vmem>>)
    %add3A_69 = arith.constant 0 : i32
    %add3A_70 = arith.addi %mul3A_6, %add3A_69 : i32
    %jit3A = arith.constant 1024 : i32
    %div3A = arith.divsi %add3A_70, %jit3A : i32
    %sign3A = arith.constant 0 : i32
    %sign3A_71 = arith.cmpi sgt, %add3A_70, %sign3A : i32
    %sign3A_72 = arith.extui %sign3A_71 : i1 to i32
    %sign3A_73 = arith.constant 0 : i32
    %sign3A_74 = arith.cmpi slt, %add3A_70, %sign3A_73 : i32
    %sign3A_75 = arith.extui %sign3A_74 : i1 to i32
    %sign3A_76 = arith.subi %sign3A_72, %sign3A_75 : i32
    %sign3A_77 = arith.constant 0 : i32
    %sign3A_78 = arith.cmpi sgt, %jit3A, %sign3A_77 : i32
    %sign3A_79 = arith.extui %sign3A_78 : i1 to i32
    %sign3A_80 = arith.constant 0 : i32
    %sign3A_81 = arith.cmpi slt, %jit3A, %sign3A_80 : i32
    %sign3A_82 = arith.extui %sign3A_81 : i1 to i32
    %sign3A_83 = arith.subi %sign3A_79, %sign3A_82 : i32
    %ne3A = arith.cmpi ne, %sign3A_76, %sign3A_83 : i32
    %rem3A = arith.remsi %add3A_70, %jit3A : i32
    %ne3A_84 = arith.constant 0 : i32
    %ne3A_85 = arith.cmpi ne, %rem3A, %ne3A_84 : i32
    %and3A = arith.andi %ne3A, %ne3A_85 : i1
    %sub3A = arith.constant 1 : i32
    %sub3A_86 = arith.subi %div3A, %sub3A : i32
    %select_n3A = arith.select %and3A, %sub3A_86, %div3A : i32
    %jit3A_87 = arith.constant 1024 : i32
    %eq3A = arith.constant 0 : i32
    %eq3A_88 = arith.cmpi eq, %jit3A_87, %eq3A : i32
    %jit3A_89 = arith.constant 1 : i32
    %select_n3A_90 = arith.select %eq3A_88, %jit3A_89, %jit3A_87 : i32
    %rem3A_91 = arith.remsi %add3A_70, %select_n3A_90 : i32
    %ne3A_92 = arith.constant 0 : i32
    %ne3A_93 = arith.cmpi ne, %rem3A_91, %ne3A_92 : i32
    %lt3A = arith.constant 0 : i32
    %lt3A_94 = arith.cmpi slt, %rem3A_91, %lt3A : i32
    %lt3A_95 = arith.constant 0 : i32
    %lt3A_96 = arith.cmpi slt, %select_n3A_90, %lt3A_95 : i32
    %ne3A_97 = arith.xori %lt3A_94, %lt3A_96 : i1
    %and3A_98 = arith.andi %ne3A_97, %ne3A_93 : i1
    %add3A_99 = arith.addi %rem3A_91, %select_n3A_90 : i32
    %select_n3A_100 = arith.select %and3A_98, %add3A_99, %rem3A_91 : i32
    "tpu.region"() ({
      %run_scoped3A = tpu.sem_alloc : memref<!tpu.dma_semaphore, #tpu.memory_space<semaphore_mem>>
      %dma_start3A_419 = arith.constant 0 : i32
      %dma_start3A_420 = tpu.memref_slice %arg4[%select_n3A, %select_n3A_100, %dma_start3A_419] : memref<64x1024x64xf32, #tpu.memory_space<hbm>> -> memref<1x512x64xf32, #tpu.memory_space<hbm>>
      %dma_start3A_421 = tpu.memref_squeeze %dma_start3A_420 : memref<1x512x64xf32, #tpu.memory_space<hbm>> -> memref<512x64xf32, #tpu.memory_space<hbm>>
      %dma_start3A_422 = arith.constant 0 : i32
      %dma_start3A_423 = tpu.memref_slice %arg4[%select_n3A, %select_n3A_100, %dma_start3A_422] : memref<64x1024x64xf32, #tpu.memory_space<hbm>> -> memref<1x512x64xf32, #tpu.memory_space<hbm>>
      %dma_start3A_424 = tpu.memref_squeeze %dma_start3A_423 : memref<1x512x64xf32, #tpu.memory_space<hbm>> -> memref<512x64xf32, #tpu.memory_space<hbm>>
      tpu.enqueue_dma source(%arg6 : memref<512x64xf32, #tpu.memory_space<vmem>>) target(%dma_start3A_424 : memref<512x64xf32, #tpu.memory_space<hbm>>) target_semaphore(%run_scoped3A : memref<!tpu.dma_semaphore, #tpu.memory_space<semaphore_mem>>)
      %dma_wait3A_425 = arith.constant 0 : i32
      %dma_wait3A_426 = tpu.memref_slice %arg4[%select_n3A, %select_n3A_100, %dma_wait3A_425] : memref<64x1024x64xf32, #tpu.memory_space<hbm>> -> memref<1x512x64xf32, #tpu.memory_space<hbm>>
      %dma_wait3A_427 = tpu.memref_squeeze %dma_wait3A_426 : memref<1x512x64xf32, #tpu.memory_space<hbm>> -> memref<512x64xf32, #tpu.memory_space<hbm>>
      %dma_wait3A_428 = arith.constant 0 : i32
      %dma_wait3A_429 = tpu.memref_slice %arg4[%select_n3A, %select_n3A_100, %dma_wait3A_428] : memref<64x1024x64xf32, #tpu.memory_space<hbm>> -> memref<1x512x64xf32, #tpu.memory_space<hbm>>
      %dma_wait3A_430 = tpu.memref_squeeze %dma_wait3A_429 : memref<1x512x64xf32, #tpu.memory_space<hbm>> -> memref<512x64xf32, #tpu.memory_space<hbm>>
      tpu.wait_dma2 semaphore(%run_scoped3A : memref<!tpu.dma_semaphore, #tpu.memory_space<semaphore_mem>>) src(%arg6 : memref<512x64xf32, #tpu.memory_space<vmem>>) dst(%dma_wait3A_430 : memref<512x64xf32, #tpu.memory_space<hbm>>)
      tpu.yield
    }) : () -> ()
    %dma_start3A_101 = arith.constant 0 : i32
    %dma_start3A_102 = arith.constant 0 : i32
    %dma_start3A_103 = tpu.memref_slice %arg6[%dma_start3A_101, %dma_start3A_102] : memref<512x64xf32, #tpu.memory_space<vmem>> -> memref<128x64xf32, #tpu.memory_space<vmem>>
    %dma_start3A_104 = arith.constant 512 : i32
    %dma_start3A_105 = tpu.memref_slice %arg5[%dma_start3A_104] : memref<2048xi32, #tpu.memory_space<vmem>> -> memref<128xi32, #tpu.memory_space<vmem>>
    %dma_start3A_106 = arith.constant 0 : i32
    %dma_start3A_107 = arith.constant 0 : i32
    %dma_start3A_108 = tpu.memref_slice %arg2[%dma_start3A_106, %dma_start3A_107] : memref<1024x64xf32, #tpu.memory_space<hbm>> -> memref<1024x64xf32, #tpu.memory_space<hbm>>
    tpu.enqueue_indirect_dma source(%dma_start3A_108 : memref<1024x64xf32, #tpu.memory_space<hbm>>) target(%dma_start3A_103 : memref<128x64xf32, #tpu.memory_space<vmem>>) offsets(%dma_start3A_105 : memref<128xi32, #tpu.memory_space<vmem>>) semaphore(%arg7 : memref<!tpu.dma_semaphore, #tpu.memory_space<semaphore_mem>>)
    %dma_start3A_109 = arith.constant 128 : i32
    %dma_start3A_110 = arith.constant 0 : i32
    %dma_start3A_111 = tpu.memref_slice %arg6[%dma_start3A_109, %dma_start3A_110] : memref<512x64xf32, #tpu.memory_space<vmem>> -> memref<128x64xf32, #tpu.memory_space<vmem>>
    %dma_start3A_112 = arith.constant 640 : i32
    %dma_start3A_113 = tpu.memref_slice %arg5[%dma_start3A_112] : memref<2048xi32, #tpu.memory_space<vmem>> -> memref<128xi32, #tpu.memory_space<vmem>>
    %dma_start3A_114 = arith.constant 0 : i32
    %dma_start3A_115 = arith.constant 0 : i32
    %dma_start3A_116 = tpu.memref_slice %arg2[%dma_start3A_114, %dma_start3A_115] : memref<1024x64xf32, #tpu.memory_space<hbm>> -> memref<1024x64xf32, #tpu.memory_space<hbm>>
    tpu.enqueue_indirect_dma source(%dma_start3A_116 : memref<1024x64xf32, #tpu.memory_space<hbm>>) target(%dma_start3A_111 : memref<128x64xf32, #tpu.memory_space<vmem>>) offsets(%dma_start3A_113 : memref<128xi32, #tpu.memory_space<vmem>>) semaphore(%arg7 : memref<!tpu.dma_semaphore, #tpu.memory_space<semaphore_mem>>)
    %dma_start3A_117 = arith.constant 256 : i32
    %dma_start3A_118 = arith.constant 0 : i32
    %dma_start3A_119 = tpu.memref_slice %arg6[%dma_start3A_117, %dma_start3A_118] : memref<512x64xf32, #tpu.memory_space<vmem>> -> memref<128x64xf32, #tpu.memory_space<vmem>>
    %dma_start3A_120 = arith.constant 768 : i32
    %dma_start3A_121 = tpu.memref_slice %arg5[%dma_start3A_120] : memref<2048xi32, #tpu.memory_space<vmem>> -> memref<128xi32, #tpu.memory_space<vmem>>
    %dma_start3A_122 = arith.constant 0 : i32
    %dma_start3A_123 = arith.constant 0 : i32
    %dma_start3A_124 = tpu.memref_slice %arg2[%dma_start3A_122, %dma_start3A_123] : memref<1024x64xf32, #tpu.memory_space<hbm>> -> memref<1024x64xf32, #tpu.memory_space<hbm>>
    tpu.enqueue_indirect_dma source(%dma_start3A_124 : memref<1024x64xf32, #tpu.memory_space<hbm>>) target(%dma_start3A_119 : memref<128x64xf32, #tpu.memory_space<vmem>>) offsets(%dma_start3A_121 : memref<128xi32, #tpu.memory_space<vmem>>) semaphore(%arg7 : memref<!tpu.dma_semaphore, #tpu.memory_space<semaphore_mem>>)
    %dma_start3A_125 = arith.constant 384 : i32
    %dma_start3A_126 = arith.constant 0 : i32
    %dma_start3A_127 = tpu.memref_slice %arg6[%dma_start3A_125, %dma_start3A_126] : memref<512x64xf32, #tpu.memory_space<vmem>> -> memref<128x64xf32, #tpu.memory_space<vmem>>
    %dma_start3A_128 = arith.constant 896 : i32
    %dma_start3A_129 = tpu.memref_slice %arg5[%dma_start3A_128] : memref<2048xi32, #tpu.memory_space<vmem>> -> memref<128xi32, #tpu.memory_space<vmem>>
    %dma_start3A_130 = arith.constant 0 : i32
    %dma_start3A_131 = arith.constant 0 : i32
    %dma_start3A_132 = tpu.memref_slice %arg2[%dma_start3A_130, %dma_start3A_131] : memref<1024x64xf32, #tpu.memory_space<hbm>> -> memref<1024x64xf32, #tpu.memory_space<hbm>>
    tpu.enqueue_indirect_dma source(%dma_start3A_132 : memref<1024x64xf32, #tpu.memory_space<hbm>>) target(%dma_start3A_127 : memref<128x64xf32, #tpu.memory_space<vmem>>) offsets(%dma_start3A_129 : memref<128xi32, #tpu.memory_space<vmem>>) semaphore(%arg7 : memref<!tpu.dma_semaphore, #tpu.memory_space<semaphore_mem>>)
    %dma_wait3A_133 = arith.constant 0 : i32
    %dma_wait3A_134 = arith.constant 0 : i32
    %dma_wait3A_135 = tpu.memref_slice %arg6[%dma_wait3A_133, %dma_wait3A_134] : memref<512x64xf32, #tpu.memory_space<vmem>> -> memref<128x64xf32, #tpu.memory_space<vmem>>
    %dma_wait3A_136 = arith.constant 512 : i32
    %dma_wait3A_137 = tpu.memref_slice %arg5[%dma_wait3A_136] : memref<2048xi32, #tpu.memory_space<vmem>> -> memref<128xi32, #tpu.memory_space<vmem>>
    %dma_wait3A_138 = arith.constant 0 : i32
    %dma_wait3A_139 = arith.constant 0 : i32
    %dma_wait3A_140 = tpu.memref_slice %arg2[%dma_wait3A_138, %dma_wait3A_139] : memref<1024x64xf32, #tpu.memory_space<hbm>> -> memref<1024x64xf32, #tpu.memory_space<hbm>>
    tpu.wait_indirect_dma semaphore(%arg7 : memref<!tpu.dma_semaphore, #tpu.memory_space<semaphore_mem>>) src(%dma_wait3A_140 : memref<1024x64xf32, #tpu.memory_space<hbm>>) dst(%dma_wait3A_135 : memref<128x64xf32, #tpu.memory_space<vmem>>)
    %dma_wait3A_141 = arith.constant 128 : i32
    %dma_wait3A_142 = arith.constant 0 : i32
    %dma_wait3A_143 = tpu.memref_slice %arg6[%dma_wait3A_141, %dma_wait3A_142] : memref<512x64xf32, #tpu.memory_space<vmem>> -> memref<128x64xf32, #tpu.memory_space<vmem>>
    %dma_wait3A_144 = arith.constant 640 : i32
    %dma_wait3A_145 = tpu.memref_slice %arg5[%dma_wait3A_144] : memref<2048xi32, #tpu.memory_space<vmem>> -> memref<128xi32, #tpu.memory_space<vmem>>
    %dma_wait3A_146 = arith.constant 0 : i32
    %dma_wait3A_147 = arith.constant 0 : i32
    %dma_wait3A_148 = tpu.memref_slice %arg2[%dma_wait3A_146, %dma_wait3A_147] : memref<1024x64xf32, #tpu.memory_space<hbm>> -> memref<1024x64xf32, #tpu.memory_space<hbm>>
    tpu.wait_indirect_dma semaphore(%arg7 : memref<!tpu.dma_semaphore, #tpu.memory_space<semaphore_mem>>) src(%dma_wait3A_148 : memref<1024x64xf32, #tpu.memory_space<hbm>>) dst(%dma_wait3A_143 : memref<128x64xf32, #tpu.memory_space<vmem>>)
    %dma_wait3A_149 = arith.constant 256 : i32
    %dma_wait3A_150 = arith.constant 0 : i32
    %dma_wait3A_151 = tpu.memref_slice %arg6[%dma_wait3A_149, %dma_wait3A_150] : memref<512x64xf32, #tpu.memory_space<vmem>> -> memref<128x64xf32, #tpu.memory_space<vmem>>
    %dma_wait3A_152 = arith.constant 768 : i32
    %dma_wait3A_153 = tpu.memref_slice %arg5[%dma_wait3A_152] : memref<2048xi32, #tpu.memory_space<vmem>> -> memref<128xi32, #tpu.memory_space<vmem>>
    %dma_wait3A_154 = arith.constant 0 : i32
    %dma_wait3A_155 = arith.constant 0 : i32
    %dma_wait3A_156 = tpu.memref_slice %arg2[%dma_wait3A_154, %dma_wait3A_155] : memref<1024x64xf32, #tpu.memory_space<hbm>> -> memref<1024x64xf32, #tpu.memory_space<hbm>>
    tpu.wait_indirect_dma semaphore(%arg7 : memref<!tpu.dma_semaphore, #tpu.memory_space<semaphore_mem>>) src(%dma_wait3A_156 : memref<1024x64xf32, #tpu.memory_space<hbm>>) dst(%dma_wait3A_151 : memref<128x64xf32, #tpu.memory_space<vmem>>)
    %dma_wait3A_157 = arith.constant 384 : i32
    %dma_wait3A_158 = arith.constant 0 : i32
    %dma_wait3A_159 = tpu.memref_slice %arg6[%dma_wait3A_157, %dma_wait3A_158] : memref<512x64xf32, #tpu.memory_space<vmem>> -> memref<128x64xf32, #tpu.memory_space<vmem>>
    %dma_wait3A_160 = arith.constant 896 : i32
    %dma_wait3A_161 = tpu.memref_slice %arg5[%dma_wait3A_160] : memref<2048xi32, #tpu.memory_space<vmem>> -> memref<128xi32, #tpu.memory_space<vmem>>
    %dma_wait3A_162 = arith.constant 0 : i32
    %dma_wait3A_163 = arith.constant 0 : i32
    %dma_wait3A_164 = tpu.memref_slice %arg2[%dma_wait3A_162, %dma_wait3A_163] : memref<1024x64xf32, #tpu.memory_space<hbm>> -> memref<1024x64xf32, #tpu.memory_space<hbm>>
    tpu.wait_indirect_dma semaphore(%arg7 : memref<!tpu.dma_semaphore, #tpu.memory_space<semaphore_mem>>) src(%dma_wait3A_164 : memref<1024x64xf32, #tpu.memory_space<hbm>>) dst(%dma_wait3A_159 : memref<128x64xf32, #tpu.memory_space<vmem>>)
    %add3A_165 = arith.constant 512 : i32
    %add3A_166 = arith.addi %mul3A_6, %add3A_165 : i32
    %jit3A_167 = arith.constant 1024 : i32
    %div3A_168 = arith.divsi %add3A_166, %jit3A_167 : i32
    %sign3A_169 = arith.constant 0 : i32
    %sign3A_170 = arith.cmpi sgt, %add3A_166, %sign3A_169 : i32
    %sign3A_171 = arith.extui %sign3A_170 : i1 to i32
    %sign3A_172 = arith.constant 0 : i32
    %sign3A_173 = arith.cmpi slt, %add3A_166, %sign3A_172 : i32
    %sign3A_174 = arith.extui %sign3A_173 : i1 to i32
    %sign3A_175 = arith.subi %sign3A_171, %sign3A_174 : i32
    %sign3A_176 = arith.constant 0 : i32
    %sign3A_177 = arith.cmpi sgt, %jit3A_167, %sign3A_176 : i32
    %sign3A_178 = arith.extui %sign3A_177 : i1 to i32
    %sign3A_179 = arith.constant 0 : i32
    %sign3A_180 = arith.cmpi slt, %jit3A_167, %sign3A_179 : i32
    %sign3A_181 = arith.extui %sign3A_180 : i1 to i32
    %sign3A_182 = arith.subi %sign3A_178, %sign3A_181 : i32
    %ne3A_183 = arith.cmpi ne, %sign3A_175, %sign3A_182 : i32
    %rem3A_184 = arith.remsi %add3A_166, %jit3A_167 : i32
    %ne3A_185 = arith.constant 0 : i32
    %ne3A_186 = arith.cmpi ne, %rem3A_184, %ne3A_185 : i32
    %and3A_187 = arith.andi %ne3A_183, %ne3A_186 : i1
    %sub3A_188 = arith.constant 1 : i32
    %sub3A_189 = arith.subi %div3A_168, %sub3A_188 : i32
    %select_n3A_190 = arith.select %and3A_187, %sub3A_189, %div3A_168 : i32
    %jit3A_191 = arith.constant 1024 : i32
    %eq3A_192 = arith.constant 0 : i32
    %eq3A_193 = arith.cmpi eq, %jit3A_191, %eq3A_192 : i32
    %jit3A_194 = arith.constant 1 : i32
    %select_n3A_195 = arith.select %eq3A_193, %jit3A_194, %jit3A_191 : i32
    %rem3A_196 = arith.remsi %add3A_166, %select_n3A_195 : i32
    %ne3A_197 = arith.constant 0 : i32
    %ne3A_198 = arith.cmpi ne, %rem3A_196, %ne3A_197 : i32
    %lt3A_199 = arith.constant 0 : i32
    %lt3A_200 = arith.cmpi slt, %rem3A_196, %lt3A_199 : i32
    %lt3A_201 = arith.constant 0 : i32
    %lt3A_202 = arith.cmpi slt, %select_n3A_195, %lt3A_201 : i32
    %ne3A_203 = arith.xori %lt3A_200, %lt3A_202 : i1
    %and3A_204 = arith.andi %ne3A_203, %ne3A_198 : i1
    %add3A_205 = arith.addi %rem3A_196, %select_n3A_195 : i32
    %select_n3A_206 = arith.select %and3A_204, %add3A_205, %rem3A_196 : i32
    "tpu.region"() ({
      %run_scoped3A = tpu.sem_alloc : memref<!tpu.dma_semaphore, #tpu.memory_space<semaphore_mem>>
      %dma_start3A_419 = arith.constant 0 : i32
      %dma_start3A_420 = tpu.memref_slice %arg4[%select_n3A_190, %select_n3A_206, %dma_start3A_419] : memref<64x1024x64xf32, #tpu.memory_space<hbm>> -> memref<1x512x64xf32, #tpu.memory_space<hbm>>
      %dma_start3A_421 = tpu.memref_squeeze %dma_start3A_420 : memref<1x512x64xf32, #tpu.memory_space<hbm>> -> memref<512x64xf32, #tpu.memory_space<hbm>>
      %dma_start3A_422 = arith.constant 0 : i32
      %dma_start3A_423 = tpu.memref_slice %arg4[%select_n3A_190, %select_n3A_206, %dma_start3A_422] : memref<64x1024x64xf32, #tpu.memory_space<hbm>> -> memref<1x512x64xf32, #tpu.memory_space<hbm>>
      %dma_start3A_424 = tpu.memref_squeeze %dma_start3A_423 : memref<1x512x64xf32, #tpu.memory_space<hbm>> -> memref<512x64xf32, #tpu.memory_space<hbm>>
      tpu.enqueue_dma source(%arg6 : memref<512x64xf32, #tpu.memory_space<vmem>>) target(%dma_start3A_424 : memref<512x64xf32, #tpu.memory_space<hbm>>) target_semaphore(%run_scoped3A : memref<!tpu.dma_semaphore, #tpu.memory_space<semaphore_mem>>)
      %dma_wait3A_425 = arith.constant 0 : i32
      %dma_wait3A_426 = tpu.memref_slice %arg4[%select_n3A_190, %select_n3A_206, %dma_wait3A_425] : memref<64x1024x64xf32, #tpu.memory_space<hbm>> -> memref<1x512x64xf32, #tpu.memory_space<hbm>>
      %dma_wait3A_427 = tpu.memref_squeeze %dma_wait3A_426 : memref<1x512x64xf32, #tpu.memory_space<hbm>> -> memref<512x64xf32, #tpu.memory_space<hbm>>
      %dma_wait3A_428 = arith.constant 0 : i32
      %dma_wait3A_429 = tpu.memref_slice %arg4[%select_n3A_190, %select_n3A_206, %dma_wait3A_428] : memref<64x1024x64xf32, #tpu.memory_space<hbm>> -> memref<1x512x64xf32, #tpu.memory_space<hbm>>
      %dma_wait3A_430 = tpu.memref_squeeze %dma_wait3A_429 : memref<1x512x64xf32, #tpu.memory_space<hbm>> -> memref<512x64xf32, #tpu.memory_space<hbm>>
      tpu.wait_dma2 semaphore(%run_scoped3A : memref<!tpu.dma_semaphore, #tpu.memory_space<semaphore_mem>>) src(%arg6 : memref<512x64xf32, #tpu.memory_space<vmem>>) dst(%dma_wait3A_430 : memref<512x64xf32, #tpu.memory_space<hbm>>)
      tpu.yield
    }) : () -> ()
    %dma_start3A_207 = arith.constant 0 : i32
    %dma_start3A_208 = arith.constant 0 : i32
    %dma_start3A_209 = tpu.memref_slice %arg6[%dma_start3A_207, %dma_start3A_208] : memref<512x64xf32, #tpu.memory_space<vmem>> -> memref<128x64xf32, #tpu.memory_space<vmem>>
    %dma_start3A_210 = arith.constant 1024 : i32
    %dma_start3A_211 = tpu.memref_slice %arg5[%dma_start3A_210] : memref<2048xi32, #tpu.memory_space<vmem>> -> memref<128xi32, #tpu.memory_space<vmem>>
    %dma_start3A_212 = arith.constant 0 : i32
    %dma_start3A_213 = arith.constant 0 : i32
    %dma_start3A_214 = tpu.memref_slice %arg2[%dma_start3A_212, %dma_start3A_213] : memref<1024x64xf32, #tpu.memory_space<hbm>> -> memref<1024x64xf32, #tpu.memory_space<hbm>>
    tpu.enqueue_indirect_dma source(%dma_start3A_214 : memref<1024x64xf32, #tpu.memory_space<hbm>>) target(%dma_start3A_209 : memref<128x64xf32, #tpu.memory_space<vmem>>) offsets(%dma_start3A_211 : memref<128xi32, #tpu.memory_space<vmem>>) semaphore(%arg7 : memref<!tpu.dma_semaphore, #tpu.memory_space<semaphore_mem>>)
    %dma_start3A_215 = arith.constant 128 : i32
    %dma_start3A_216 = arith.constant 0 : i32
    %dma_start3A_217 = tpu.memref_slice %arg6[%dma_start3A_215, %dma_start3A_216] : memref<512x64xf32, #tpu.memory_space<vmem>> -> memref<128x64xf32, #tpu.memory_space<vmem>>
    %dma_start3A_218 = arith.constant 1152 : i32
    %dma_start3A_219 = tpu.memref_slice %arg5[%dma_start3A_218] : memref<2048xi32, #tpu.memory_space<vmem>> -> memref<128xi32, #tpu.memory_space<vmem>>
    %dma_start3A_220 = arith.constant 0 : i32
    %dma_start3A_221 = arith.constant 0 : i32
    %dma_start3A_222 = tpu.memref_slice %arg2[%dma_start3A_220, %dma_start3A_221] : memref<1024x64xf32, #tpu.memory_space<hbm>> -> memref<1024x64xf32, #tpu.memory_space<hbm>>
    tpu.enqueue_indirect_dma source(%dma_start3A_222 : memref<1024x64xf32, #tpu.memory_space<hbm>>) target(%dma_start3A_217 : memref<128x64xf32, #tpu.memory_space<vmem>>) offsets(%dma_start3A_219 : memref<128xi32, #tpu.memory_space<vmem>>) semaphore(%arg7 : memref<!tpu.dma_semaphore, #tpu.memory_space<semaphore_mem>>)
    %dma_start3A_223 = arith.constant 256 : i32
    %dma_start3A_224 = arith.constant 0 : i32
    %dma_start3A_225 = tpu.memref_slice %arg6[%dma_start3A_223, %dma_start3A_224] : memref<512x64xf32, #tpu.memory_space<vmem>> -> memref<128x64xf32, #tpu.memory_space<vmem>>
    %dma_start3A_226 = arith.constant 1280 : i32
    %dma_start3A_227 = tpu.memref_slice %arg5[%dma_start3A_226] : memref<2048xi32, #tpu.memory_space<vmem>> -> memref<128xi32, #tpu.memory_space<vmem>>
    %dma_start3A_228 = arith.constant 0 : i32
    %dma_start3A_229 = arith.constant 0 : i32
    %dma_start3A_230 = tpu.memref_slice %arg2[%dma_start3A_228, %dma_start3A_229] : memref<1024x64xf32, #tpu.memory_space<hbm>> -> memref<1024x64xf32, #tpu.memory_space<hbm>>
    tpu.enqueue_indirect_dma source(%dma_start3A_230 : memref<1024x64xf32, #tpu.memory_space<hbm>>) target(%dma_start3A_225 : memref<128x64xf32, #tpu.memory_space<vmem>>) offsets(%dma_start3A_227 : memref<128xi32, #tpu.memory_space<vmem>>) semaphore(%arg7 : memref<!tpu.dma_semaphore, #tpu.memory_space<semaphore_mem>>)
    %dma_start3A_231 = arith.constant 384 : i32
    %dma_start3A_232 = arith.constant 0 : i32
    %dma_start3A_233 = tpu.memref_slice %arg6[%dma_start3A_231, %dma_start3A_232] : memref<512x64xf32, #tpu.memory_space<vmem>> -> memref<128x64xf32, #tpu.memory_space<vmem>>
    %dma_start3A_234 = arith.constant 1408 : i32
    %dma_start3A_235 = tpu.memref_slice %arg5[%dma_start3A_234] : memref<2048xi32, #tpu.memory_space<vmem>> -> memref<128xi32, #tpu.memory_space<vmem>>
    %dma_start3A_236 = arith.constant 0 : i32
    %dma_start3A_237 = arith.constant 0 : i32
    %dma_start3A_238 = tpu.memref_slice %arg2[%dma_start3A_236, %dma_start3A_237] : memref<1024x64xf32, #tpu.memory_space<hbm>> -> memref<1024x64xf32, #tpu.memory_space<hbm>>
    tpu.enqueue_indirect_dma source(%dma_start3A_238 : memref<1024x64xf32, #tpu.memory_space<hbm>>) target(%dma_start3A_233 : memref<128x64xf32, #tpu.memory_space<vmem>>) offsets(%dma_start3A_235 : memref<128xi32, #tpu.memory_space<vmem>>) semaphore(%arg7 : memref<!tpu.dma_semaphore, #tpu.memory_space<semaphore_mem>>)
    %dma_wait3A_239 = arith.constant 0 : i32
    %dma_wait3A_240 = arith.constant 0 : i32
    %dma_wait3A_241 = tpu.memref_slice %arg6[%dma_wait3A_239, %dma_wait3A_240] : memref<512x64xf32, #tpu.memory_space<vmem>> -> memref<128x64xf32, #tpu.memory_space<vmem>>
    %dma_wait3A_242 = arith.constant 1024 : i32
    %dma_wait3A_243 = tpu.memref_slice %arg5[%dma_wait3A_242] : memref<2048xi32, #tpu.memory_space<vmem>> -> memref<128xi32, #tpu.memory_space<vmem>>
    %dma_wait3A_244 = arith.constant 0 : i32
    %dma_wait3A_245 = arith.constant 0 : i32
    %dma_wait3A_246 = tpu.memref_slice %arg2[%dma_wait3A_244, %dma_wait3A_245] : memref<1024x64xf32, #tpu.memory_space<hbm>> -> memref<1024x64xf32, #tpu.memory_space<hbm>>
    tpu.wait_indirect_dma semaphore(%arg7 : memref<!tpu.dma_semaphore, #tpu.memory_space<semaphore_mem>>) src(%dma_wait3A_246 : memref<1024x64xf32, #tpu.memory_space<hbm>>) dst(%dma_wait3A_241 : memref<128x64xf32, #tpu.memory_space<vmem>>)
    %dma_wait3A_247 = arith.constant 128 : i32
    %dma_wait3A_248 = arith.constant 0 : i32
    %dma_wait3A_249 = tpu.memref_slice %arg6[%dma_wait3A_247, %dma_wait3A_248] : memref<512x64xf32, #tpu.memory_space<vmem>> -> memref<128x64xf32, #tpu.memory_space<vmem>>
    %dma_wait3A_250 = arith.constant 1152 : i32
    %dma_wait3A_251 = tpu.memref_slice %arg5[%dma_wait3A_250] : memref<2048xi32, #tpu.memory_space<vmem>> -> memref<128xi32, #tpu.memory_space<vmem>>
    %dma_wait3A_252 = arith.constant 0 : i32
    %dma_wait3A_253 = arith.constant 0 : i32
    %dma_wait3A_254 = tpu.memref_slice %arg2[%dma_wait3A_252, %dma_wait3A_253] : memref<1024x64xf32, #tpu.memory_space<hbm>> -> memref<1024x64xf32, #tpu.memory_space<hbm>>
    tpu.wait_indirect_dma semaphore(%arg7 : memref<!tpu.dma_semaphore, #tpu.memory_space<semaphore_mem>>) src(%dma_wait3A_254 : memref<1024x64xf32, #tpu.memory_space<hbm>>) dst(%dma_wait3A_249 : memref<128x64xf32, #tpu.memory_space<vmem>>)
    %dma_wait3A_255 = arith.constant 256 : i32
    %dma_wait3A_256 = arith.constant 0 : i32
    %dma_wait3A_257 = tpu.memref_slice %arg6[%dma_wait3A_255, %dma_wait3A_256] : memref<512x64xf32, #tpu.memory_space<vmem>> -> memref<128x64xf32, #tpu.memory_space<vmem>>
    %dma_wait3A_258 = arith.constant 1280 : i32
    %dma_wait3A_259 = tpu.memref_slice %arg5[%dma_wait3A_258] : memref<2048xi32, #tpu.memory_space<vmem>> -> memref<128xi32, #tpu.memory_space<vmem>>
    %dma_wait3A_260 = arith.constant 0 : i32
    %dma_wait3A_261 = arith.constant 0 : i32
    %dma_wait3A_262 = tpu.memref_slice %arg2[%dma_wait3A_260, %dma_wait3A_261] : memref<1024x64xf32, #tpu.memory_space<hbm>> -> memref<1024x64xf32, #tpu.memory_space<hbm>>
    tpu.wait_indirect_dma semaphore(%arg7 : memref<!tpu.dma_semaphore, #tpu.memory_space<semaphore_mem>>) src(%dma_wait3A_262 : memref<1024x64xf32, #tpu.memory_space<hbm>>) dst(%dma_wait3A_257 : memref<128x64xf32, #tpu.memory_space<vmem>>)
    %dma_wait3A_263 = arith.constant 384 : i32
    %dma_wait3A_264 = arith.constant 0 : i32
    %dma_wait3A_265 = tpu.memref_slice %arg6[%dma_wait3A_263, %dma_wait3A_264] : memref<512x64xf32, #tpu.memory_space<vmem>> -> memref<128x64xf32, #tpu.memory_space<vmem>>
    %dma_wait3A_266 = arith.constant 1408 : i32
    %dma_wait3A_267 = tpu.memref_slice %arg5[%dma_wait3A_266] : memref<2048xi32, #tpu.memory_space<vmem>> -> memref<128xi32, #tpu.memory_space<vmem>>
    %dma_wait3A_268 = arith.constant 0 : i32
    %dma_wait3A_269 = arith.constant 0 : i32
    %dma_wait3A_270 = tpu.memref_slice %arg2[%dma_wait3A_268, %dma_wait3A_269] : memref<1024x64xf32, #tpu.memory_space<hbm>> -> memref<1024x64xf32, #tpu.memory_space<hbm>>
    tpu.wait_indirect_dma semaphore(%arg7 : memref<!tpu.dma_semaphore, #tpu.memory_space<semaphore_mem>>) src(%dma_wait3A_270 : memref<1024x64xf32, #tpu.memory_space<hbm>>) dst(%dma_wait3A_265 : memref<128x64xf32, #tpu.memory_space<vmem>>)
    %add3A_271 = arith.constant 1024 : i32
    %add3A_272 = arith.addi %mul3A_6, %add3A_271 : i32
    %jit3A_273 = arith.constant 1024 : i32
    %div3A_274 = arith.divsi %add3A_272, %jit3A_273 : i32
    %sign3A_275 = arith.constant 0 : i32
    %sign3A_276 = arith.cmpi sgt, %add3A_272, %sign3A_275 : i32
    %sign3A_277 = arith.extui %sign3A_276 : i1 to i32
    %sign3A_278 = arith.constant 0 : i32
    %sign3A_279 = arith.cmpi slt, %add3A_272, %sign3A_278 : i32
    %sign3A_280 = arith.extui %sign3A_279 : i1 to i32
    %sign3A_281 = arith.subi %sign3A_277, %sign3A_280 : i32
    %sign3A_282 = arith.constant 0 : i32
    %sign3A_283 = arith.cmpi sgt, %jit3A_273, %sign3A_282 : i32
    %sign3A_284 = arith.extui %sign3A_283 : i1 to i32
    %sign3A_285 = arith.constant 0 : i32
    %sign3A_286 = arith.cmpi slt, %jit3A_273, %sign3A_285 : i32
    %sign3A_287 = arith.extui %sign3A_286 : i1 to i32
    %sign3A_288 = arith.subi %sign3A_284, %sign3A_287 : i32
    %ne3A_289 = arith.cmpi ne, %sign3A_281, %sign3A_288 : i32
    %rem3A_290 = arith.remsi %add3A_272, %jit3A_273 : i32
    %ne3A_291 = arith.constant 0 : i32
    %ne3A_292 = arith.cmpi ne, %rem3A_290, %ne3A_291 : i32
    %and3A_293 = arith.andi %ne3A_289, %ne3A_292 : i1
    %sub3A_294 = arith.constant 1 : i32
    %sub3A_295 = arith.subi %div3A_274, %sub3A_294 : i32
    %select_n3A_296 = arith.select %and3A_293, %sub3A_295, %div3A_274 : i32
    %jit3A_297 = arith.constant 1024 : i32
    %eq3A_298 = arith.constant 0 : i32
    %eq3A_299 = arith.cmpi eq, %jit3A_297, %eq3A_298 : i32
    %jit3A_300 = arith.constant 1 : i32
    %select_n3A_301 = arith.select %eq3A_299, %jit3A_300, %jit3A_297 : i32
    %rem3A_302 = arith.remsi %add3A_272, %select_n3A_301 : i32
    %ne3A_303 = arith.constant 0 : i32
    %ne3A_304 = arith.cmpi ne, %rem3A_302, %ne3A_303 : i32
    %lt3A_305 = arith.constant 0 : i32
    %lt3A_306 = arith.cmpi slt, %rem3A_302, %lt3A_305 : i32
    %lt3A_307 = arith.constant 0 : i32
    %lt3A_308 = arith.cmpi slt, %select_n3A_301, %lt3A_307 : i32
    %ne3A_309 = arith.xori %lt3A_306, %lt3A_308 : i1
    %and3A_310 = arith.andi %ne3A_309, %ne3A_304 : i1
    %add3A_311 = arith.addi %rem3A_302, %select_n3A_301 : i32
    %select_n3A_312 = arith.select %and3A_310, %add3A_311, %rem3A_302 : i32
    "tpu.region"() ({
      %run_scoped3A = tpu.sem_alloc : memref<!tpu.dma_semaphore, #tpu.memory_space<semaphore_mem>>
      %dma_start3A_419 = arith.constant 0 : i32
      %dma_start3A_420 = tpu.memref_slice %arg4[%select_n3A_296, %select_n3A_312, %dma_start3A_419] : memref<64x1024x64xf32, #tpu.memory_space<hbm>> -> memref<1x512x64xf32, #tpu.memory_space<hbm>>
      %dma_start3A_421 = tpu.memref_squeeze %dma_start3A_420 : memref<1x512x64xf32, #tpu.memory_space<hbm>> -> memref<512x64xf32, #tpu.memory_space<hbm>>
      %dma_start3A_422 = arith.constant 0 : i32
      %dma_start3A_423 = tpu.memref_slice %arg4[%select_n3A_296, %select_n3A_312, %dma_start3A_422] : memref<64x1024x64xf32, #tpu.memory_space<hbm>> -> memref<1x512x64xf32, #tpu.memory_space<hbm>>
      %dma_start3A_424 = tpu.memref_squeeze %dma_start3A_423 : memref<1x512x64xf32, #tpu.memory_space<hbm>> -> memref<512x64xf32, #tpu.memory_space<hbm>>
      tpu.enqueue_dma source(%arg6 : memref<512x64xf32, #tpu.memory_space<vmem>>) target(%dma_start3A_424 : memref<512x64xf32, #tpu.memory_space<hbm>>) target_semaphore(%run_scoped3A : memref<!tpu.dma_semaphore, #tpu.memory_space<semaphore_mem>>)
      %dma_wait3A_425 = arith.constant 0 : i32
      %dma_wait3A_426 = tpu.memref_slice %arg4[%select_n3A_296, %select_n3A_312, %dma_wait3A_425] : memref<64x1024x64xf32, #tpu.memory_space<hbm>> -> memref<1x512x64xf32, #tpu.memory_space<hbm>>
      %dma_wait3A_427 = tpu.memref_squeeze %dma_wait3A_426 : memref<1x512x64xf32, #tpu.memory_space<hbm>> -> memref<512x64xf32, #tpu.memory_space<hbm>>
      %dma_wait3A_428 = arith.constant 0 : i32
      %dma_wait3A_429 = tpu.memref_slice %arg4[%select_n3A_296, %select_n3A_312, %dma_wait3A_428] : memref<64x1024x64xf32, #tpu.memory_space<hbm>> -> memref<1x512x64xf32, #tpu.memory_space<hbm>>
      %dma_wait3A_430 = tpu.memref_squeeze %dma_wait3A_429 : memref<1x512x64xf32, #tpu.memory_space<hbm>> -> memref<512x64xf32, #tpu.memory_space<hbm>>
      tpu.wait_dma2 semaphore(%run_scoped3A : memref<!tpu.dma_semaphore, #tpu.memory_space<semaphore_mem>>) src(%arg6 : memref<512x64xf32, #tpu.memory_space<vmem>>) dst(%dma_wait3A_430 : memref<512x64xf32, #tpu.memory_space<hbm>>)
      tpu.yield
    }) : () -> ()
    %dma_start3A_313 = arith.constant 0 : i32
    %dma_start3A_314 = arith.constant 0 : i32
    %dma_start3A_315 = tpu.memref_slice %arg6[%dma_start3A_313, %dma_start3A_314] : memref<512x64xf32, #tpu.memory_space<vmem>> -> memref<128x64xf32, #tpu.memory_space<vmem>>
    %dma_start3A_316 = arith.constant 1536 : i32
    %dma_start3A_317 = tpu.memref_slice %arg5[%dma_start3A_316] : memref<2048xi32, #tpu.memory_space<vmem>> -> memref<128xi32, #tpu.memory_space<vmem>>
    %dma_start3A_318 = arith.constant 0 : i32
    %dma_start3A_319 = arith.constant 0 : i32
    %dma_start3A_320 = tpu.memref_slice %arg2[%dma_start3A_318, %dma_start3A_319] : memref<1024x64xf32, #tpu.memory_space<hbm>> -> memref<1024x64xf32, #tpu.memory_space<hbm>>
    tpu.enqueue_indirect_dma source(%dma_start3A_320 : memref<1024x64xf32, #tpu.memory_space<hbm>>) target(%dma_start3A_315 : memref<128x64xf32, #tpu.memory_space<vmem>>) offsets(%dma_start3A_317 : memref<128xi32, #tpu.memory_space<vmem>>) semaphore(%arg7 : memref<!tpu.dma_semaphore, #tpu.memory_space<semaphore_mem>>)
    %dma_start3A_321 = arith.constant 128 : i32
    %dma_start3A_322 = arith.constant 0 : i32
    %dma_start3A_323 = tpu.memref_slice %arg6[%dma_start3A_321, %dma_start3A_322] : memref<512x64xf32, #tpu.memory_space<vmem>> -> memref<128x64xf32, #tpu.memory_space<vmem>>
    %dma_start3A_324 = arith.constant 1664 : i32
    %dma_start3A_325 = tpu.memref_slice %arg5[%dma_start3A_324] : memref<2048xi32, #tpu.memory_space<vmem>> -> memref<128xi32, #tpu.memory_space<vmem>>
    %dma_start3A_326 = arith.constant 0 : i32
    %dma_start3A_327 = arith.constant 0 : i32
    %dma_start3A_328 = tpu.memref_slice %arg2[%dma_start3A_326, %dma_start3A_327] : memref<1024x64xf32, #tpu.memory_space<hbm>> -> memref<1024x64xf32, #tpu.memory_space<hbm>>
    tpu.enqueue_indirect_dma source(%dma_start3A_328 : memref<1024x64xf32, #tpu.memory_space<hbm>>) target(%dma_start3A_323 : memref<128x64xf32, #tpu.memory_space<vmem>>) offsets(%dma_start3A_325 : memref<128xi32, #tpu.memory_space<vmem>>) semaphore(%arg7 : memref<!tpu.dma_semaphore, #tpu.memory_space<semaphore_mem>>)
    %dma_start3A_329 = arith.constant 256 : i32
    %dma_start3A_330 = arith.constant 0 : i32
    %dma_start3A_331 = tpu.memref_slice %arg6[%dma_start3A_329, %dma_start3A_330] : memref<512x64xf32, #tpu.memory_space<vmem>> -> memref<128x64xf32, #tpu.memory_space<vmem>>
    %dma_start3A_332 = arith.constant 1792 : i32
    %dma_start3A_333 = tpu.memref_slice %arg5[%dma_start3A_332] : memref<2048xi32, #tpu.memory_space<vmem>> -> memref<128xi32, #tpu.memory_space<vmem>>
    %dma_start3A_334 = arith.constant 0 : i32
    %dma_start3A_335 = arith.constant 0 : i32
    %dma_start3A_336 = tpu.memref_slice %arg2[%dma_start3A_334, %dma_start3A_335] : memref<1024x64xf32, #tpu.memory_space<hbm>> -> memref<1024x64xf32, #tpu.memory_space<hbm>>
    tpu.enqueue_indirect_dma source(%dma_start3A_336 : memref<1024x64xf32, #tpu.memory_space<hbm>>) target(%dma_start3A_331 : memref<128x64xf32, #tpu.memory_space<vmem>>) offsets(%dma_start3A_333 : memref<128xi32, #tpu.memory_space<vmem>>) semaphore(%arg7 : memref<!tpu.dma_semaphore, #tpu.memory_space<semaphore_mem>>)
    %dma_start3A_337 = arith.constant 384 : i32
    %dma_start3A_338 = arith.constant 0 : i32
    %dma_start3A_339 = tpu.memref_slice %arg6[%dma_start3A_337, %dma_start3A_338] : memref<512x64xf32, #tpu.memory_space<vmem>> -> memref<128x64xf32, #tpu.memory_space<vmem>>
    %dma_start3A_340 = arith.constant 1920 : i32
    %dma_start3A_341 = tpu.memref_slice %arg5[%dma_start3A_340] : memref<2048xi32, #tpu.memory_space<vmem>> -> memref<128xi32, #tpu.memory_space<vmem>>
    %dma_start3A_342 = arith.constant 0 : i32
    %dma_start3A_343 = arith.constant 0 : i32
    %dma_start3A_344 = tpu.memref_slice %arg2[%dma_start3A_342, %dma_start3A_343] : memref<1024x64xf32, #tpu.memory_space<hbm>> -> memref<1024x64xf32, #tpu.memory_space<hbm>>
    tpu.enqueue_indirect_dma source(%dma_start3A_344 : memref<1024x64xf32, #tpu.memory_space<hbm>>) target(%dma_start3A_339 : memref<128x64xf32, #tpu.memory_space<vmem>>) offsets(%dma_start3A_341 : memref<128xi32, #tpu.memory_space<vmem>>) semaphore(%arg7 : memref<!tpu.dma_semaphore, #tpu.memory_space<semaphore_mem>>)
    %dma_wait3A_345 = arith.constant 0 : i32
    %dma_wait3A_346 = arith.constant 0 : i32
    %dma_wait3A_347 = tpu.memref_slice %arg6[%dma_wait3A_345, %dma_wait3A_346] : memref<512x64xf32, #tpu.memory_space<vmem>> -> memref<128x64xf32, #tpu.memory_space<vmem>>
    %dma_wait3A_348 = arith.constant 1536 : i32
    %dma_wait3A_349 = tpu.memref_slice %arg5[%dma_wait3A_348] : memref<2048xi32, #tpu.memory_space<vmem>> -> memref<128xi32, #tpu.memory_space<vmem>>
    %dma_wait3A_350 = arith.constant 0 : i32
    %dma_wait3A_351 = arith.constant 0 : i32
    %dma_wait3A_352 = tpu.memref_slice %arg2[%dma_wait3A_350, %dma_wait3A_351] : memref<1024x64xf32, #tpu.memory_space<hbm>> -> memref<1024x64xf32, #tpu.memory_space<hbm>>
    tpu.wait_indirect_dma semaphore(%arg7 : memref<!tpu.dma_semaphore, #tpu.memory_space<semaphore_mem>>) src(%dma_wait3A_352 : memref<1024x64xf32, #tpu.memory_space<hbm>>) dst(%dma_wait3A_347 : memref<128x64xf32, #tpu.memory_space<vmem>>)
    %dma_wait3A_353 = arith.constant 128 : i32
    %dma_wait3A_354 = arith.constant 0 : i32
    %dma_wait3A_355 = tpu.memref_slice %arg6[%dma_wait3A_353, %dma_wait3A_354] : memref<512x64xf32, #tpu.memory_space<vmem>> -> memref<128x64xf32, #tpu.memory_space<vmem>>
    %dma_wait3A_356 = arith.constant 1664 : i32
    %dma_wait3A_357 = tpu.memref_slice %arg5[%dma_wait3A_356] : memref<2048xi32, #tpu.memory_space<vmem>> -> memref<128xi32, #tpu.memory_space<vmem>>
    %dma_wait3A_358 = arith.constant 0 : i32
    %dma_wait3A_359 = arith.constant 0 : i32
    %dma_wait3A_360 = tpu.memref_slice %arg2[%dma_wait3A_358, %dma_wait3A_359] : memref<1024x64xf32, #tpu.memory_space<hbm>> -> memref<1024x64xf32, #tpu.memory_space<hbm>>
    tpu.wait_indirect_dma semaphore(%arg7 : memref<!tpu.dma_semaphore, #tpu.memory_space<semaphore_mem>>) src(%dma_wait3A_360 : memref<1024x64xf32, #tpu.memory_space<hbm>>) dst(%dma_wait3A_355 : memref<128x64xf32, #tpu.memory_space<vmem>>)
    %dma_wait3A_361 = arith.constant 256 : i32
    %dma_wait3A_362 = arith.constant 0 : i32
    %dma_wait3A_363 = tpu.memref_slice %arg6[%dma_wait3A_361, %dma_wait3A_362] : memref<512x64xf32, #tpu.memory_space<vmem>> -> memref<128x64xf32, #tpu.memory_space<vmem>>
    %dma_wait3A_364 = arith.constant 1792 : i32
    %dma_wait3A_365 = tpu.memref_slice %arg5[%dma_wait3A_364] : memref<2048xi32, #tpu.memory_space<vmem>> -> memref<128xi32, #tpu.memory_space<vmem>>
    %dma_wait3A_366 = arith.constant 0 : i32
    %dma_wait3A_367 = arith.constant 0 : i32
    %dma_wait3A_368 = tpu.memref_slice %arg2[%dma_wait3A_366, %dma_wait3A_367] : memref<1024x64xf32, #tpu.memory_space<hbm>> -> memref<1024x64xf32, #tpu.memory_space<hbm>>
    tpu.wait_indirect_dma semaphore(%arg7 : memref<!tpu.dma_semaphore, #tpu.memory_space<semaphore_mem>>) src(%dma_wait3A_368 : memref<1024x64xf32, #tpu.memory_space<hbm>>) dst(%dma_wait3A_363 : memref<128x64xf32, #tpu.memory_space<vmem>>)
    %dma_wait3A_369 = arith.constant 384 : i32
    %dma_wait3A_370 = arith.constant 0 : i32
    %dma_wait3A_371 = tpu.memref_slice %arg6[%dma_wait3A_369, %dma_wait3A_370] : memref<512x64xf32, #tpu.memory_space<vmem>> -> memref<128x64xf32, #tpu.memory_space<vmem>>
    %dma_wait3A_372 = arith.constant 1920 : i32
    %dma_wait3A_373 = tpu.memref_slice %arg5[%dma_wait3A_372] : memref<2048xi32, #tpu.memory_space<vmem>> -> memref<128xi32, #tpu.memory_space<vmem>>
    %dma_wait3A_374 = arith.constant 0 : i32
    %dma_wait3A_375 = arith.constant 0 : i32
    %dma_wait3A_376 = tpu.memref_slice %arg2[%dma_wait3A_374, %dma_wait3A_375] : memref<1024x64xf32, #tpu.memory_space<hbm>> -> memref<1024x64xf32, #tpu.memory_space<hbm>>
    tpu.wait_indirect_dma semaphore(%arg7 : memref<!tpu.dma_semaphore, #tpu.memory_space<semaphore_mem>>) src(%dma_wait3A_376 : memref<1024x64xf32, #tpu.memory_space<hbm>>) dst(%dma_wait3A_371 : memref<128x64xf32, #tpu.memory_space<vmem>>)
    %add3A_377 = arith.constant 1536 : i32
    %add3A_378 = arith.addi %mul3A_6, %add3A_377 : i32
    %jit3A_379 = arith.constant 1024 : i32
    %div3A_380 = arith.divsi %add3A_378, %jit3A_379 : i32
    %sign3A_381 = arith.constant 0 : i32
    %sign3A_382 = arith.cmpi sgt, %add3A_378, %sign3A_381 : i32
    %sign3A_383 = arith.extui %sign3A_382 : i1 to i32
    %sign3A_384 = arith.constant 0 : i32
    %sign3A_385 = arith.cmpi slt, %add3A_378, %sign3A_384 : i32
    %sign3A_386 = arith.extui %sign3A_385 : i1 to i32
    %sign3A_387 = arith.subi %sign3A_383, %sign3A_386 : i32
    %sign3A_388 = arith.constant 0 : i32
    %sign3A_389 = arith.cmpi sgt, %jit3A_379, %sign3A_388 : i32
    %sign3A_390 = arith.extui %sign3A_389 : i1 to i32
    %sign3A_391 = arith.constant 0 : i32
    %sign3A_392 = arith.cmpi slt, %jit3A_379, %sign3A_391 : i32
    %sign3A_393 = arith.extui %sign3A_392 : i1 to i32
    %sign3A_394 = arith.subi %sign3A_390, %sign3A_393 : i32
    %ne3A_395 = arith.cmpi ne, %sign3A_387, %sign3A_394 : i32
    %rem3A_396 = arith.remsi %add3A_378, %jit3A_379 : i32
    %ne3A_397 = arith.constant 0 : i32
    %ne3A_398 = arith.cmpi ne, %rem3A_396, %ne3A_397 : i32
    %and3A_399 = arith.andi %ne3A_395, %ne3A_398 : i1
    %sub3A_400 = arith.constant 1 : i32
    %sub3A_401 = arith.subi %div3A_380, %sub3A_400 : i32
    %select_n3A_402 = arith.select %and3A_399, %sub3A_401, %div3A_380 : i32
    %jit3A_403 = arith.constant 1024 : i32
    %eq3A_404 = arith.constant 0 : i32
    %eq3A_405 = arith.cmpi eq, %jit3A_403, %eq3A_404 : i32
    %jit3A_406 = arith.constant 1 : i32
    %select_n3A_407 = arith.select %eq3A_405, %jit3A_406, %jit3A_403 : i32
    %rem3A_408 = arith.remsi %add3A_378, %select_n3A_407 : i32
    %ne3A_409 = arith.constant 0 : i32
    %ne3A_410 = arith.cmpi ne, %rem3A_408, %ne3A_409 : i32
    %lt3A_411 = arith.constant 0 : i32
    %lt3A_412 = arith.cmpi slt, %rem3A_408, %lt3A_411 : i32
    %lt3A_413 = arith.constant 0 : i32
    %lt3A_414 = arith.cmpi slt, %select_n3A_407, %lt3A_413 : i32
    %ne3A_415 = arith.xori %lt3A_412, %lt3A_414 : i1
    %and3A_416 = arith.andi %ne3A_415, %ne3A_410 : i1
    %add3A_417 = arith.addi %rem3A_408, %select_n3A_407 : i32
    %select_n3A_418 = arith.select %and3A_416, %add3A_417, %rem3A_408 : i32
    "tpu.region"() ({
      %run_scoped3A = tpu.sem_alloc : memref<!tpu.dma_semaphore, #tpu.memory_space<semaphore_mem>>
      %dma_start3A_419 = arith.constant 0 : i32
      %dma_start3A_420 = tpu.memref_slice %arg4[%select_n3A_402, %select_n3A_418, %dma_start3A_419] : memref<64x1024x64xf32, #tpu.memory_space<hbm>> -> memref<1x512x64xf32, #tpu.memory_space<hbm>>
      %dma_start3A_421 = tpu.memref_squeeze %dma_start3A_420 : memref<1x512x64xf32, #tpu.memory_space<hbm>> -> memref<512x64xf32, #tpu.memory_space<hbm>>
      %dma_start3A_422 = arith.constant 0 : i32
      %dma_start3A_423 = tpu.memref_slice %arg4[%select_n3A_402, %select_n3A_418, %dma_start3A_422] : memref<64x1024x64xf32, #tpu.memory_space<hbm>> -> memref<1x512x64xf32, #tpu.memory_space<hbm>>
      %dma_start3A_424 = tpu.memref_squeeze %dma_start3A_423 : memref<1x512x64xf32, #tpu.memory_space<hbm>> -> memref<512x64xf32, #tpu.memory_space<hbm>>
      tpu.enqueue_dma source(%arg6 : memref<512x64xf32, #tpu.memory_space<vmem>>) target(%dma_start3A_424 : memref<512x64xf32, #tpu.memory_space<hbm>>) target_semaphore(%run_scoped3A : memref<!tpu.dma_semaphore, #tpu.memory_space<semaphore_mem>>)
      %dma_wait3A_425 = arith.constant 0 : i32
      %dma_wait3A_426 = tpu.memref_slice %arg4[%select_n3A_402, %select_n3A_418, %dma_wait3A_425] : memref<64x1024x64xf32, #tpu.memory_space<hbm>> -> memref<1x512x64xf32, #tpu.memory_space<hbm>>
      %dma_wait3A_427 = tpu.memref_squeeze %dma_wait3A_426 : memref<1x512x64xf32, #tpu.memory_space<hbm>> -> memref<512x64xf32, #tpu.memory_space<hbm>>
      %dma_wait3A_428 = arith.constant 0 : i32
      %dma_wait3A_429 = tpu.memref_slice %arg4[%select_n3A_402, %select_n3A_418, %dma_wait3A_428] : memref<64x1024x64xf32, #tpu.memory_space<hbm>> -> memref<1x512x64xf32, #tpu.memory_space<hbm>>
      %dma_wait3A_430 = tpu.memref_squeeze %dma_wait3A_429 : memref<1x512x64xf32, #tpu.memory_space<hbm>> -> memref<512x64xf32, #tpu.memory_space<hbm>>
      tpu.wait_dma2 semaphore(%run_scoped3A : memref<!tpu.dma_semaphore, #tpu.memory_space<semaphore_mem>>) src(%arg6 : memref<512x64xf32, #tpu.memory_space<vmem>>) dst(%dma_wait3A_430 : memref<512x64xf32, #tpu.memory_space<hbm>>)
      tpu.yield
    }) : () -> ()
    return
  }
}

module attributes {stable_mosaic.version = 14 : i64} {
  func.func @_vq_tc_body(%arg0: i32, %arg1: memref<4096x64xf32, #tpu.memory_space<vmem>>, %arg2: memref<1024x64xf32, #tpu.memory_space<vmem>>, %arg3: memref<4096x1xi32, #tpu.memory_space<vmem>>, %arg4: memref<1x1xf32, #tpu.memory_space<vmem>>, %arg5: memref<4096x1xf32, #tpu.memory_space<vmem>>, %arg6: memref<4096x1024xf32, #tpu.memory_space<vmem>>) attributes {dimension_semantics = [#tpu.dimension_semantics<arbitrary>], iteration_bounds = array<i64: 16>, scalar_prefetch = 0 : i64, scratch_operands = 2 : i64, tpu.core_type = #tpu.core_type<tc>, window_params = [{transform_indices = @transform_0, window_bounds = array<i64: 4096, 64>}, {pipeline_mode = #tpu.pipeline_mode<synchronous>, transform_indices = @transform_1, window_bounds = array<i64: 1024, 64>}, {transform_indices = @transform_2, window_bounds = array<i64: 4096, 1>}, {pipeline_mode = #tpu.pipeline_mode<synchronous>, transform_indices = @transform_3, window_bounds = array<i64: 1, 1>}]} {
    %get3A = arith.constant 0 : index
    %get3A_0 = arith.constant 0 : index
    %get3A_1 = vector.load %arg1[%get3A, %get3A_0] : memref<4096x64xf32, #tpu.memory_space<vmem>>, vector<4096x64xf32>
    %get3A_2 = arith.constant 0 : index
    %get3A_3 = arith.constant 0 : index
    %get3A_4 = vector.load %arg2[%get3A_2, %get3A_3] : memref<1024x64xf32, #tpu.memory_space<vmem>>, vector<1024x64xf32>
    %mul3A = arith.mulf %get3A_1, %get3A_1 : vector<4096x64xf32>
    %reduce_sum3A = arith.constant dense<0.000000e+00> : vector<4096xf32>
    %reduce_sum3A_5 = vector.multi_reduction <add>, %mul3A, %reduce_sum3A [1] : vector<4096x64xf32> to vector<4096xf32>
    %broadcast_in_dim3A = vector.shape_cast %reduce_sum3A_5 : vector<4096xf32> to vector<4096x1xf32>
    %mul3A_6 = arith.mulf %get3A_4, %get3A_4 : vector<1024x64xf32>
    %reduce_sum3A_7 = arith.constant dense<0.000000e+00> : vector<1024xf32>
    %reduce_sum3A_8 = vector.multi_reduction <add>, %mul3A_6, %reduce_sum3A_7 [1] : vector<1024x64xf32> to vector<1024xf32>
    %slice3A = vector.extract_strided_slice %get3A_4 {offsets = [0, 0], sizes = [512, 64], strides = [1, 1]} : vector<1024x64xf32> to vector<512x64xf32>
    %dot_general3A = arith.constant dense<0.000000e+00> : vector<4096x512xf32>
    %dot_general3A_9 = tpu.matmul %get3A_1, %slice3A, %dot_general3A {dimension_numbers = #tpu.dot_dimension_numbers<[1], [1], [0], [0], [0, 0, 1, 0], [], []>, transpose_lhs_hint = false} : vector<4096x64xf32>, vector<512x64xf32>, vector<4096x512xf32> -> vector<4096x512xf32>
    %slice3A_10 = vector.extract_strided_slice %reduce_sum3A_8 {offsets = [0], sizes = [512], strides = [1]} : vector<1024xf32> to vector<512xf32>
    %broadcast_in_dim3A_11 = vector.shape_cast %slice3A_10 : vector<512xf32> to vector<1x512xf32>
    %add3A = vector.broadcast %broadcast_in_dim3A : vector<4096x1xf32> to vector<4096x512xf32>
    %add3A_12 = vector.broadcast %broadcast_in_dim3A_11 : vector<1x512xf32> to vector<4096x512xf32>
    %add3A_13 = arith.addf %add3A, %add3A_12 : vector<4096x512xf32>
    %mul3A_14 = arith.constant 2.000000e+00 : f32
    %mul3A_15 = vector.broadcast %mul3A_14 : f32 to vector<4096x512xf32>
    %mul3A_16 = arith.mulf %mul3A_15, %dot_general3A_9 : vector<4096x512xf32>
    %sub3A = arith.subf %add3A_13, %mul3A_16 : vector<4096x512xf32>
    %swap3A = arith.constant 0 : index
    %swap3A_17 = arith.constant 0 : index
    %swap3A_18 = vector.load %arg6[%swap3A, %swap3A_17] : memref<4096x1024xf32, #tpu.memory_space<vmem>>, vector<4096x512xf32>
    tpu.vector_store %arg6[%swap3A, %swap3A_17], %sub3A {strides = array<i32>} : memref<4096x1024xf32, #tpu.memory_space<vmem>>, vector<4096x512xf32>,
    %slice3A_19 = vector.extract_strided_slice %get3A_4 {offsets = [512, 0], sizes = [512, 64], strides = [1, 1]} : vector<1024x64xf32> to vector<512x64xf32>
    %dot_general3A_20 = arith.constant dense<0.000000e+00> : vector<4096x512xf32>
    %dot_general3A_21 = tpu.matmul %get3A_1, %slice3A_19, %dot_general3A_20 {dimension_numbers = #tpu.dot_dimension_numbers<[1], [1], [0], [0], [0, 0, 1, 0], [], []>, transpose_lhs_hint = false} : vector<4096x64xf32>, vector<512x64xf32>, vector<4096x512xf32> -> vector<4096x512xf32>
    %slice3A_22 = vector.extract_strided_slice %reduce_sum3A_8 {offsets = [512], sizes = [512], strides = [1]} : vector<1024xf32> to vector<512xf32>
    %broadcast_in_dim3A_23 = vector.shape_cast %slice3A_22 : vector<512xf32> to vector<1x512xf32>
    %add3A_24 = vector.broadcast %broadcast_in_dim3A : vector<4096x1xf32> to vector<4096x512xf32>
    %add3A_25 = vector.broadcast %broadcast_in_dim3A_23 : vector<1x512xf32> to vector<4096x512xf32>
    %add3A_26 = arith.addf %add3A_24, %add3A_25 : vector<4096x512xf32>
    %mul3A_27 = arith.constant 2.000000e+00 : f32
    %mul3A_28 = vector.broadcast %mul3A_27 : f32 to vector<4096x512xf32>
    %mul3A_29 = arith.mulf %mul3A_28, %dot_general3A_21 : vector<4096x512xf32>
    %sub3A_30 = arith.subf %add3A_26, %mul3A_29 : vector<4096x512xf32>
    %swap3A_31 = arith.constant 0 : index
    %swap3A_32 = arith.constant 512 : index
    %swap3A_33 = vector.load %arg6[%swap3A_31, %swap3A_32] : memref<4096x1024xf32, #tpu.memory_space<vmem>>, vector<4096x512xf32>
    tpu.vector_store %arg6[%swap3A_31, %swap3A_32], %sub3A_30 {strides = array<i32>} : memref<4096x1024xf32, #tpu.memory_space<vmem>>, vector<4096x512xf32>,
    %min3A = arith.minimumf %sub3A, %sub3A_30 : vector<4096x512xf32>
    %reduce_min3A = arith.constant dense<0x7F800000> : vector<4096xf32>
    %reduce_min3A_34 = vector.multi_reduction <minimumf>, %min3A, %reduce_min3A [1] : vector<4096x512xf32> to vector<4096xf32>
    %broadcast_in_dim3A_35 = vector.shape_cast %reduce_min3A_34 : vector<4096xf32> to vector<4096x1xf32>
    %get3A_36 = arith.constant 0 : index
    %get3A_37 = arith.constant 0 : index
    %get3A_38 = vector.load %arg6[%get3A_36, %get3A_37] : memref<4096x1024xf32, #tpu.memory_space<vmem>>, vector<4096x1024xf32>
    %iota3A = tpu.iota {dimensions = array<i32: 1>} : vector<4096x1024xi32>
    %convert_element_type3A = arith.sitofp %iota3A : vector<4096x1024xi32> to vector<4096x1024xf32>
    %eq3A = vector.broadcast %broadcast_in_dim3A_35 : vector<4096x1xf32> to vector<4096x1024xf32>
    %eq3A_39 = arith.cmpf oeq, %get3A_38, %eq3A : vector<4096x1024xf32>
    %jit3A = arith.constant 1.024000e+03 : f32
    %broadcast_in_dim3A_40 = vector.broadcast %jit3A : f32 to vector<4096x1024xf32>
    %select_n3A = arith.select %eq3A_39, %convert_element_type3A, %broadcast_in_dim3A_40 : vector<4096x1024xi1>, vector<4096x1024xf32>
    %reduce_min3A_41 = arith.constant dense<0x7F800000> : vector<4096xf32>
    %reduce_min3A_42 = vector.multi_reduction <minimumf>, %select_n3A, %reduce_min3A_41 [1] : vector<4096x1024xf32> to vector<4096xf32>
    %broadcast_in_dim3A_43 = vector.shape_cast %reduce_min3A_42 : vector<4096xf32> to vector<4096x1xf32>
    %convert_element_type3A_44 = arith.fptosi %broadcast_in_dim3A_43 : vector<4096x1xf32> to vector<4096x1xi32>
    %swap3A_45 = arith.constant 0 : index
    %swap3A_46 = arith.constant 0 : index
    %swap3A_47 = vector.load %arg3[%swap3A_45, %swap3A_46] : memref<4096x1xi32, #tpu.memory_space<vmem>>, vector<4096x1xi32>
    tpu.vector_store %arg3[%swap3A_45, %swap3A_46], %convert_element_type3A_44 {strides = array<i32>} : memref<4096x1xi32, #tpu.memory_space<vmem>>, vector<4096x1xi32>,
    %eq3A_48 = arith.constant 0 : i32
    %eq3A_49 = arith.cmpi eq, %arg0, %eq3A_48 : i32
    %convert_element_type3A_50 = arith.extui %eq3A_49 : i1 to i32
    %cond3A = arith.constant 0 : i32
    %cond3A_51 = arith.cmpi ne, %convert_element_type3A_50, %cond3A : i32
    scf.if %cond3A_51 {
      %broadcast_in_dim3A_64 = arith.constant 0.000000e+00 : f32
      %broadcast_in_dim3A_65 = vector.broadcast %broadcast_in_dim3A_64 : f32 to vector<4096x1xf32>
      %swap3A_66 = arith.constant 0 : index
      %swap3A_67 = arith.constant 0 : index
      %swap3A_68 = vector.load %arg5[%swap3A_66, %swap3A_67] : memref<4096x1xf32, #tpu.memory_space<vmem>>, vector<4096x1xf32>
      tpu.vector_store %arg5[%swap3A_66, %swap3A_67], %broadcast_in_dim3A_65 {strides = array<i32>} : memref<4096x1xf32, #tpu.memory_space<vmem>>, vector<4096x1xf32>,
    } else {
    }
    %get3A_52 = arith.constant 0 : index
    %get3A_53 = arith.constant 0 : index
    %get3A_54 = vector.load %arg5[%get3A_52, %get3A_53] : memref<4096x1xf32, #tpu.memory_space<vmem>>, vector<4096x1xf32>
    %add3A_55 = arith.addf %get3A_54, %broadcast_in_dim3A_35 : vector<4096x1xf32>
    %swap3A_56 = arith.constant 0 : index
    %swap3A_57 = arith.constant 0 : index
    %swap3A_58 = vector.load %arg5[%swap3A_56, %swap3A_57] : memref<4096x1xf32, #tpu.memory_space<vmem>>, vector<4096x1xf32>
    tpu.vector_store %arg5[%swap3A_56, %swap3A_57], %add3A_55 {strides = array<i32>} : memref<4096x1xf32, #tpu.memory_space<vmem>>, vector<4096x1xf32>,
    %eq3A_59 = arith.constant 15 : i32
    %eq3A_60 = arith.cmpi eq, %arg0, %eq3A_59 : i32
    %convert_element_type3A_61 = arith.extui %eq3A_60 : i1 to i32
    %cond3A_62 = arith.constant 0 : i32
    %cond3A_63 = arith.cmpi ne, %convert_element_type3A_61, %cond3A_62 : i32
    scf.if %cond3A_63 {
      %get3A_64 = arith.constant 0 : index
      %get3A_65 = arith.constant 0 : index
      %get3A_66 = vector.load %arg5[%get3A_64, %get3A_65] : memref<4096x1xf32, #tpu.memory_space<vmem>>, vector<4096x1xf32>
      %reduce_sum3A_67 = vector.shape_cast %get3A_66 : vector<4096x1xf32> to vector<1x4096x1xf32>
      %reduce_sum3A_68 = arith.constant dense<0.000000e+00> : vector<1xf32>
      %reduce_sum3A_69 = vector.multi_reduction <add>, %reduce_sum3A_67, %reduce_sum3A_68 [1, 2] : vector<1x4096x1xf32> to vector<1xf32>
      %reduce_sum3A_70 = vector.shape_cast %reduce_sum3A_69 : vector<1xf32> to vector<1x1x1xf32>
      %reduce_sum3A_71 = vector.extract %reduce_sum3A_70[0, 0, 0] : f32 from vector<1x1x1xf32>
      %broadcast_in_dim3A_72 = vector.broadcast %reduce_sum3A_71 : f32 to vector<1x1xf32>
      %mul3A_73 = arith.constant 2.98023224E-7 : f32
      %mul3A_74 = vector.broadcast %mul3A_73 : f32 to vector<1x1xf32>
      %mul3A_75 = arith.mulf %broadcast_in_dim3A_72, %mul3A_74 : vector<1x1xf32>
      %swap3A_76 = arith.constant 0 : index
      %swap3A_77 = arith.constant 0 : index
      %swap3A_78 = vector.load %arg4[%swap3A_76, %swap3A_77] : memref<1x1xf32, #tpu.memory_space<vmem>>, vector<1x1xf32>
      tpu.vector_store %arg4[%swap3A_76, %swap3A_77], %mul3A_75 {strides = array<i32>} : memref<1x1xf32, #tpu.memory_space<vmem>>, vector<1x1xf32>,
    } else {
    }
    return
  }
  func.func @transform_0(%arg0: i32) -> (i32, i32) {
    %add3A = arith.constant 0 : i32
    %add3A_0 = arith.addi %add3A, %arg0 : i32
    %c0_i32 = arith.constant 0 : i32
    %c0_i32_1 = arith.constant 0 : i32
    return %add3A_0, %c0_i32 : i32, i32
  }
  func.func @transform_1(%arg0: i32) -> (i32, i32) {
    %c0_i32 = arith.constant 0 : i32
    %c0_i32_0 = arith.constant 0 : i32
    %c0_i32_1 = arith.constant 0 : i32
    return %c0_i32, %c0_i32_0 : i32, i32
  }
  func.func @transform_2(%arg0: i32) -> (i32, i32) {
    %c0_i32 = arith.constant 0 : i32
    %c0_i32_0 = arith.constant 0 : i32
    return %arg0, %c0_i32 : i32, i32
  }
  func.func @transform_3(%arg0: i32) -> (i32, i32) {
    %c0_i32 = arith.constant 0 : i32
    %c0_i32_0 = arith.constant 0 : i32
    %c0_i32_1 = arith.constant 0 : i32
    return %c0_i32, %c0_i32_0 : i32, i32
  }
}

</mosaic_0001>

<sc_bundles>
// kernel: kernel.4.cloned.1.call-start
scs
__scs_entry_jumppad:
0x0: {  	(pc) =	sbr.rel $0x88, $3  }
0x1: {  	(tag) =	ssettag $0x0;
	lr =	simm.s32 $0x1  }
0x2: {  	[smem:$0x3F9F] =	sst lr;
	_ =	strace $0xD0000000  }
0x3: {  	_ = 	snop  }
0x4: {  	_ = 	snop  }
0x5: {  	_ = 	snop  }
0x6: {  	_ = 	snop  }
0x7: {  	_ = 	snop  }
__scs_overlays_trampoline_lowered:
0x8: {  	[smem:$0x3FAE] =	sst s0  }
0x9: {  	[smem:$0x3FAF] =	sst s1  }
0xa: {  	[smem:$0x3FB0] =	sst s2  }
0xb: {  	[smem:$0x3FB1] =	sst s3  }
0xc: {  	[smem:$0x3FB2] =	sst s4  }
0xd: {  	[smem:$0x3FB3] =	sst s5  }
0xe: {  	[smem:$0x3FB4] =	sst s6  }
0xf: {  	[smem:$0x3FB5] =	sst s7  }
0x10: {  	[smem:$0x3FB6] =	sst s8  }
0x11: {  	[smem:$0x3FB7] =	sst s9;
	s0 =	simm.s32 @!p0 $0x0  }
0x12: {  	s1 =	sld [smem:$0x3F9D];
	s0 =	simm.s32 @p0 $0x1  }
0x13: {  	[smem:$0x3FB8] =	sst s0;
	s0 =	simm.s32 @!p1 $0x0  }
0x14: {  	s2 =	sld [smem:$0x3F9C];
	s0 =	simm.s32 @p1 $0x1  }
0x15: {  	[smem:$0x3FB9] =	sst s0;
	s0 =	simm.s32 @!p2 $0x0  }
0x16: {  	s3 =	sld [smem:$0x3FDB];
	s0 =	simm.s32 @p2 $0x1  }
0x17: {  	s4 =	simm.s32 $0x1BF5;
	[smem:$0x3FBB] =	sst s0  }
0x18: {  	s0 =	sld [smem:$0x3F9E];
	_ =	swait.ge [sflag:s4], $0x0  }
0x19: {  	s7 =	sld [smem:$0x3F9F]  }
0x1a: {  	s8 =	sadd.s32 $0xFFFFE003, lr  }
0x1b: {  	s9 =	sadd.s32 $0xFFFFFEF7, lr;
	s5 =	simm.s32 $0xFFFFFFFF;
	p2 =	slt.u32 s8, $0xFFFFF086  }
0x1c: {  	p1 =	slt.u32 s9, $0xF7A;
	s5 =	simm.s32 @!p2 $0x0  }
0x1d: {  	s5 =	simm.s32 @p1 $0x1;
	p0 =	seq.s32 s7, s2  }
0x1e: {  	s7 =	smul.u32 @!p0 $0xF7A, s2;
	p2 =	seq.s32 @!p0 s5, $0x0  }
0x1f: {  	s9 =	smul.u32 $0xF7A, s1;
	s8 =	simm.s32 @!p0 $0x1BF5;
	p2 =	por !p2, p0  }
0x20: {  	[sflag:s8] =	ssyncset.s32 @!p0 $0xFFFFF086;
	s6 =	sadd.s32 @!p0 s3, s7;
	s7 =	simm.s32 @!p0 $0x108  }
0x21: {  	s3 =	sadd.s32 s3, s9;
	s6 =	sadd.s32 @!p0 $0x88, s6;
	s7 =	simm.s32 @p2 $0x1082  }
0x22: {  	[simem:s7], [sflag:s8] =	dma.local @!p0 [hbm:s6], $0xF7A  }
0x23: {  	s9 =	sor.u32 $0xD0000000, s2;
	s6 =	simm.s32 $0x108;
	_ =	swait.ge @!p0 [sflag:s8], $0x0  }
0x24: {  	s3 =	sadd.s32 $0x88, s3;
	s6 =	simm.s32 @!p1 $0x1082;
	[sflag:s4] =	ssyncset.s32 $0xFFFFF086  }
0x25: {  	[simem:s6], [sflag:s4] =	dma.local [hbm:s3], $0xF7A  }
0x26: {  	[smem:$0x3F9F] =	sst s1;
	(tag) =	ssettag s2;
	_ =	strace s9  }
0x27: {  	s1 =	sld [smem:$0x3FAF]  }
0x28: {  	s2 =	sld [smem:$0x3FB0]  }
0x29: {  	s4 =	sld [smem:$0x3FB2]  }
0x2a: {  	p0 =	seq.s32 s5, $0x0;
	s5 =	sld [smem:$0x3FB3]  }
0x2b: {  	s6 =	sld [smem:$0x3FB4]  }
0x2c: {  	s7 =	sld [smem:$0x3FB5]  }
0x2d: {  	s3 =	simm.s32 $0x108;
	s8 =	sld [smem:$0x3FB6]  }
0x2e: {  	s3 =	simm.s32 @!p0 $0x1082;
	s9 =	sld [smem:$0x3FB7]  }
0x2f: {  	lr =	sadd.s32 s0, s3;
	s0 =	sld [smem:$0x3FAE]  }
0x30: {  	s3 =	sld [smem:$0x3FB1]  }
0x31: {  	[smem:$0x3FBA] =	sst s10  }
0x32: {  	s10 =	sld [smem:$0x3FB8];
	_ =	sdelay $0x3  }
0x33: {  	p0 =	seq.s32 s10, $0x1;
	s10 =	sld [smem:$0x3FBA];
	_ =	sdelay $0x3  }
0x34: {  	[smem:$0x3FBA] =	sst s10  }
0x35: {  	s10 =	sld [smem:$0x3FB9];
	_ =	sdelay $0x3  }
0x36: {  	p1 =	seq.s32 s10, $0x1;
	s10 =	sld [smem:$0x3FBA];
	_ =	sdelay $0x3  }
0x37: {  	[smem:$0x3FBA] =	sst s10  }
0x38: {  	s10 =	sld [smem:$0x3FBB]  }
0x39: {  	_ = 	snop;
	(pc) =	sbr.ind lr, $3  }
0x3a: {  	_ = 	snop  }
0x3b: {  	_ = 	snop  }
0x3c: {  	p2 =	seq.s32 s10, $0x1;
	s10 =	sld [smem:$0x3FBA]  }
0x3d: {  	_ =	shalt  }
0x3e: {  	_ =	shalt  }
0x3f: {  	_ =	shalt  }
0x40: {  	_ =	shalt  }
0x41: {  	_ =	shalt  }
0x42: {  	_ =	shalt  }
0x43: {  	_ =	shalt  }
0x44: {  	_ =	shalt  }
0x45: {  	_ =	shalt  }
0x46: {  	_ =	shalt  }
0x47: {  	_ =	shalt  }
0x48: {  	_ =	shalt  }
0x49: {  	_ =	shalt  }
0x4a: {  	_ =	shalt  }
0x4b: {  	_ =	shalt  }
0x4c: {  	_ =	shalt  }
0x4d: {  	_ =	shalt  }
0x4e: {  	_ =	shalt  }
0x4f: {  	_ =	shalt  }
0x50: {  	_ =	shalt  }
0x51: {  	_ =	shalt  }
0x52: {  	_ =	shalt  }
0x53: {  	_ =	shalt  }
0x54: {  	_ =	shalt  }
0x55: {  	_ =	shalt  }
0x56: {  	_ =	shalt  }
0x57: {  	_ =	shalt  }
0x58: {  	_ =	shalt  }
0x59: {  	_ =	shalt  }
0x5a: {  	_ =	shalt  }
0x5b: {  	_ =	shalt  }
0x5c: {  	_ =	shalt  }
0x5d: {  	_ =	shalt  }
0x5e: {  	_ =	shalt  }
0x5f: {  	_ =	shalt  }
0x60: {  	_ =	shalt  }
0x61: {  	_ =	shalt  }
0x62: {  	_ =	shalt  }
0x63: {  	_ =	shalt  }
0x64: {  	_ =	shalt  }
0x65: {  	_ =	shalt  }
0x66: {  	_ =	shalt  }
0x67: {  	_ =	shalt  }
0x68: {  	_ =	shalt  }
0x69: {  	_ =	shalt  }
0x6a: {  	_ =	shalt  }
0x6b: {  	_ =	shalt  }
0x6c: {  	_ =	shalt  }
0x6d: {  	_ =	shalt  }
0x6e: {  	_ =	shalt  }
0x6f: {  	_ =	shalt  }
0x70: {  	_ =	shalt  }
0x71: {  	_ =	shalt  }
0x72: {  	_ =	shalt  }
0x73: {  	_ =	shalt  }
0x74: {  	_ =	shalt  }
0x75: {  	_ =	shalt  }
0x76: {  	_ =	shalt  }
0x77: {  	_ =	shalt  }
0x78: {  	_ =	shalt  }
0x79: {  	_ =	shalt  }
0x7a: {  	_ =	shalt  }
0x7b: {  	_ =	shalt  }
0x7c: {  	_ =	shalt  }
0x7d: {  	_ =	shalt  }
0x7e: {  	_ =	shalt  }
0x7f: {  	_ =	shalt  }
0x80: {  	_ =	shalt  }
0x81: {  	_ =	shalt  }
0x82: {  	_ =	shalt  }
0x83: {  	_ =	shalt  }
0x84: {  	_ =	shalt  }
0x85: {  	_ =	shalt  }
0x86: {  	_ =	shalt  }
0x87: {  	_ =	shalt  }
.Lfunc_end0:
.L_simem_size_0:
called_computation_lowered:
.L_overlay_start_0:
0x88: {  	s2 =	sld [smem:$0x3FD9]  }
0x89: {  	s3 =	sld [smem:$0x3FFE];
	_ =	sdelay $0x1  }
0x8a: {  	s1 =	srdreg.scid  }
0x8b: {  	s0 =	sand.u32 $0x1, s1  }
0x8c: {  	s14 =	sshll.u32 s0, $0xA;
	s2 =	sadd.s32 s3, s2  }
0x8d: {  	s2 =	sadd.s32 s2, s14  }
0x8e: {  	[smem:$0x3FC6] =	sst s2  }
0x8f: {  	_ = 	snop  }
0x90: {  	s2 =	sld [smem:$0x3FD0];
	_ =	sdelay $0x2  }
0x91: {  	s15 =	simm.s32 $0xA;
	s4 =	simm.s32 $0x10  }
0x92: {  	[smem:s4], [sflag:s15] =	dma.local [hbm:s2], $0x1  }
0x93: {  	_ =	swait.eq [sflag:s15], $0x1  }
0x94: {  	[sflag:s15] =	ssyncset.done $0x0  }
0x95: {  	s16 =	sld [smem:$0x10];
	[sflag:s15] =	ssyncadd.s32 $0xFFFFFFFF  }
0x96: {  	s17 =	sld [smem:$0x12];
	(tm) =	ssettm $0x1  }
0x97: {  	s18 =	sld [smem:$0x3FFB];
	_ =	sdelay $0x3  }
0x98: {  	_ =	strace s18  }
0x99: {  	s4 =	sld [smem:$0x3FFC];
	_ =	sdelay $0x3  }
0x9a: {  	_ =	strace s4  }
0x9b: {  	s4 =	sld [smem:$0x3FFD];
	_ =	sdelay $0x3  }
0x9c: {  	_ =	strace s4  }
0x9d: {  	_ =	strace $0x8FFFFFFF  }
0x9e: {  	s19 =	sld [smem:$0x3FDB];
	_ =	sdelay $0x1  }
0x9f: {  	s5 =	simm.s32 $_scs_section_size  }
0xa0: {  	s6 =	simm.s32 $_size__tile_overlayer_lowered;
	s7 =	simm.s32 $_tile_overlayer_lowered  }
0xa1: {  	s22 =	simm.s32 $0x1BFF;
	s21 =	sshll.u32 s7, $0x1;
	s4 =	sadd.s32 s5, s19  }
0xa2: {  	s8 =	simm.s32 $0x0;
	s20 =	sshll.u32 s6, $0x1;
	s6 =	sadd.s32 s21, s4  }
0xa3: {  	[timem:s8], [sflag:s22] =	dma.local [hbm:s6], s20  }
0xa4: {  	_ =	swait.ge [sflag:s22], s20  }
0xa5: {  	s5 =	ssub.s32 $0x0, s20;
	[sflag:s22] =	ssyncset.done $0x0  }
0xa6: {  	[sflag:s22] =	ssyncadd.s32 s5;
	_ =	sdelay $0x1  }
0xa7: {  	s23 =	simm.s32 $0x1B8B  }
0xa8: {  	_ =	swait.ge [sflag:s23], $0x1  }
0xa9: {  	[sflag:s23] =	ssyncset.done $0x0  }
0xaa: {  	s25 =	simm.s32 $0x1B8E;
	s24 =	sld [smem:$0x3FFE];
	[sflag:s23] =	ssyncadd.s32 $0xFFFFFFFF  }
0xab: {  	s26 =	simm.s32 $execute0_lowered;
	[smem:$0x3FD2] =	sst s25  }
0xac: {  	s6 =	sshll.u32 s26, $0x1;
	_ =	strace $0x80000046;
	[dreg:$0x1] =	wrdreg $0xFFFFFFFF  }
0xad: {  	s28 =	simm.s32 $_size_execute0_lowered;
	s4 =	sadd.s32 s4, s6;
	[dreg:$0x0] =	wrdreg $0x0  }
0xae: {  	s6 =	sshll.u32 s28, $0x1;
	[dreg:$0x2] =	wrdreg s4  }
0xaf: {  	[dreg:$0x3] =	wrdreg s6  }
0xb0: {  	[dreg:$0x4] =	wrdreg $0xC0  }
0xb1: {  	_ =	task [dreg:s8], $0x5FFFF  }
0xb2: {  	[dreg:$0x1] =	wrdreg $0xFFFFFFFF  }
0xb3: {  	[dreg:$0x0] =	wrdreg $0x60  }
0xb4: {  	[dreg:$0x2] =	wrdreg s24  }
0xb5: {  	[dreg:$0x3] =	wrdreg s17  }
0xb6: {  	[dreg:$0x4] =	wrdreg s16  }
0xb7: {  	[dreg:$0x5] =	wrdreg $0x9  }
0xb8: {  	_ =	task.clear_ibuf [dreg:s8], $0x6FFFF;
	_ =	strace $0x90000046  }
0xb9: {  	s29 =	simm.s32 $0x9;
	_ =	strace $0x80000048  }
0xba: {  	_ =	swait.ge [sflag:s29], $0x1  }
0xbb: {  	[sflag:s29] =	ssyncadd.s32 $0xFFFFFFFF  }
0xbc: {  	_ =	strace $0x90000048  }
0xbd: {  	_ =	sfence  }
0xbe: {  	s30 =	sld [smem:$0x0];
	_ =	sdelay $0x2  }
0xbf: {  	s31 =	sshll.u32 s1, $0xD;
	s1 =	sshrl.u32 s1, $0x2  }
0xc0: {  	s3 =	sand.u32 $0x4000, s31;
	s1 =	sadd.s32 s1, s30  }
0xc1: {  	s0 =	sor.u32 s3, s0;
	s1 =	sshll.u32 s1, $0x11  }
0xc2: {  	s0 =	sor.u32 s1, s0  }
0xc3: {  	s0 =	sadd.s32 $0x8F2B, s0  }
0xc4: {  	[sflag:s0] =	ssyncadd.remote.s32 $0x1  }
0xc5: {  	_ =	sfence.sel $0xFFFF  }
0xc6: {  	[dreg:$0x0] =	wrdreg $0xFFFFFFFF;
	(pc) =	sbr.abs _section_cstart, $3  }
0xc7: {  	[dreg:$0x1] =	wrdreg $0xFFFFFFFF  }
0xc8: {  	_ =	task.clear_ibuf [dreg:s8], $0x2FFFF;
	_ =	strace $0x9FFFFFFF  }
0xc9: {  	(tm) =	ssettm $0x7FFFFFFF  }
tec
execute0_lowered:
.L_overlay_start_1:
0x0: {  	(tag) =	ssettag $0x1  }
0x1: {  	s5 =	rddreg [dreg:$0x0];
	s1 =	srdreg.scid  }
0x2: {  	s3 =	rddreg [dreg:$0x1];
	s0 =	stileid.u32;
	s30 =	sand.u32 $0x1, s1  }
0x3: {  	s14 =	rddreg [dreg:$0x2];
	s4 =	sshll.u32 s0, $0xC;
	s6 =	sshll.u32 s30, $0xB  }
0x4: {  	s2 =	simm.s32 $0x0;
	s1 =	rddreg [dreg:$0x3];
	s15 =	sor.u32 s6, s4  }
0x5: {  	[smem:$0x7FF] =	sst s2;
	s4 =	sshrl.u32 s15, $0x3  }
0x6: {  	_ =	strace $0x80000047;
	s4 =	sadd.s32 s3, s4;
	s3 =	simm.s32 $0x2  }
0x7: {  	[tilespmem:s2], [sflag:$0x2] =	stream.linear.gather [hbm4b:s4+s2], $0x800, $0x38;
	[tilespmem:$0x8800] =	vst v63  }
0x8: {  	_ =	swait.ge [sflag:s3], $0x800  }
0x9: {  	s7 =	simm.s32 $0x800;
	[sflag:s3] =	ssyncset.done $0x0  }
0xa: {  	s5 =	sadd.s32 $0x100200, s5;
	s6 =	simm.s32 $0x80;
	[sflag:s3] =	ssyncadd.s32 $0xFFFFF800  }
0xb: {  	[tilespmem:s7], [sflag:$0x1] =	stream.indirect.gather [hbm4b:s5+s6], $0x40, s2, s6, $0xb8;
	[tilespmem:$0x8800] =	vst v63  }
0xc: {  	s8 =	simm.s32 $0x2800  }
0xd: {  	[tilespmem:s8], [sflag:$0x1] =	stream.indirect.gather [hbm4b:s5+s6], $0x40, s6, s6, $0xb8;
	[tilespmem:$0x8800] =	vst v63  }
0xe: {  	s9 =	simm.s32 $0x100;
	s10 =	simm.s32 $0x4800  }
0xf: {  	[tilespmem:s10], [sflag:$0x1] =	stream.indirect.gather [hbm4b:s5+s6], $0x40, s9, s6, $0xb8;
	[tilespmem:$0x8800] =	vst v63  }
0x10: {  	s11 =	simm.s32 $0x180;
	s12 =	simm.s32 $0x6800;
	s13 =	simm.s32 $0x1  }
0x11: {  	[tilespmem:s12], [sflag:$0x1] =	stream.indirect.gather [hbm4b:s5+s6], $0x40, s11, s6, $0xb8;
	[tilespmem:$0x8800] =	vst v63  }
0x12: {  	_ =	swait.ge [sflag:s13], $0x2000  }
0x13: {  	[sflag:s13] =	ssyncset.done $0x0  }
0x14: {  	[sflag:s13] =	ssyncadd.s32 $0xFFFFE000  }
0x15: {  	_ =	swait.ge [sflag:s13], $0x2000  }
0x16: {  	[sflag:s13] =	ssyncset.done $0x0  }
0x17: {  	[sflag:s13] =	ssyncadd.s32 $0xFFFFE000  }
0x18: {  	_ =	swait.ge [sflag:s13], $0x2000  }
0x19: {  	[sflag:s13] =	ssyncset.done $0x0  }
0x1a: {  	[sflag:s13] =	ssyncadd.s32 $0xFFFFE000  }
0x1b: {  	_ =	swait.ge [sflag:s13], $0x2000  }
0x1c: {  	s15 =	sshll.u32 s15, $0x3;
	[sflag:s13] =	ssyncset.done $0x0  }
0x1d: {  	s14 =	sadd.s32 s14, s15;
	[sflag:s13] =	ssyncadd.s32 $0xFFFFE000  }
0x1e: {  	[hbm4b:s14+s2] =	stream.linear.scatter [tilespmem:s7], [sflag:$0x2], $0x8000, $0x38;
	[tilespmem:$0x8800] =	vst v63  }
0x1f: {  	_ =	swait.ge [sflag:s3], $0x8000  }
0x20: {  	[sflag:s3] =	ssyncset.done $0x0  }
0x21: {  	s15 =	simm.s32 $0x200;
	[sflag:s3] =	ssyncadd.s32 $0xFFFF8000  }
0x22: {  	[tilespmem:s7], [sflag:$0x1] =	stream.indirect.gather [hbm4b:s5+s6], $0x40, s15, s6, $0xb8;
	[tilespmem:$0x8800] =	vst v63  }
0x23: {  	s16 =	simm.s32 $0x280  }
0x24: {  	[tilespmem:s8], [sflag:$0x1] =	stream.indirect.gather [hbm4b:s5+s6], $0x40, s16, s6, $0xb8;
	[tilespmem:$0x8800] =	vst v63  }
0x25: {  	s17 =	simm.s32 $0x300  }
0x26: {  	[tilespmem:s10], [sflag:$0x1] =	stream.indirect.gather [hbm4b:s5+s6], $0x40, s17, s6, $0xb8;
	[tilespmem:$0x8800] =	vst v63  }
0x27: {  	s18 =	simm.s32 $0x380  }
0x28: {  	[tilespmem:s12], [sflag:$0x1] =	stream.indirect.gather [hbm4b:s5+s6], $0x40, s18, s6, $0xb8;
	[tilespmem:$0x8800] =	vst v63  }
0x29: {  	_ =	swait.ge [sflag:s13], $0x2000  }
0x2a: {  	[sflag:s13] =	ssyncset.done $0x0  }
0x2b: {  	[sflag:s13] =	ssyncadd.s32 $0xFFFFE000  }
0x2c: {  	_ =	swait.ge [sflag:s13], $0x2000  }
0x2d: {  	[sflag:s13] =	ssyncset.done $0x0  }
0x2e: {  	[sflag:s13] =	ssyncadd.s32 $0xFFFFE000  }
0x2f: {  	_ =	swait.ge [sflag:s13], $0x2000  }
0x30: {  	[sflag:s13] =	ssyncset.done $0x0  }
0x31: {  	[sflag:s13] =	ssyncadd.s32 $0xFFFFE000  }
0x32: {  	_ =	swait.ge [sflag:s13], $0x2000  }
0x33: {  	[sflag:s13] =	ssyncset.done $0x0  }
0x34: {  	s19 =	sadd.s32 $0x1000, s14;
	[sflag:s13] =	ssyncadd.s32 $0xFFFFE000  }
0x35: {  	[hbm4b:s19+s2] =	stream.linear.scatter [tilespmem:s7], [sflag:$0x2], $0x8000, $0x38;
	[tilespmem:$0x8800] =	vst v63  }
0x36: {  	_ =	swait.ge [sflag:s3], $0x8000  }
0x37: {  	[sflag:s3] =	ssyncset.done $0x0  }
0x38: {  	s20 =	simm.s32 $0x400;
	[sflag:s3] =	ssyncadd.s32 $0xFFFF8000  }
0x39: {  	[tilespmem:s7], [sflag:$0x1] =	stream.indirect.gather [hbm4b:s5+s6], $0x40, s20, s6, $0xb8;
	[tilespmem:$0x8800] =	vst v63  }
0x3a: {  	s21 =	simm.s32 $0x480  }
0x3b: {  	[tilespmem:s8], [sflag:$0x1] =	stream.indirect.gather [hbm4b:s5+s6], $0x40, s21, s6, $0xb8;
	[tilespmem:$0x8800] =	vst v63  }
0x3c: {  	s22 =	simm.s32 $0x500  }
0x3d: {  	[tilespmem:s10], [sflag:$0x1] =	stream.indirect.gather [hbm4b:s5+s6], $0x40, s22, s6, $0xb8;
	[tilespmem:$0x8800] =	vst v63  }
0x3e: {  	s23 =	simm.s32 $0x580  }
0x3f: {  	[tilespmem:s12], [sflag:$0x1] =	stream.indirect.gather [hbm4b:s5+s6], $0x40, s23, s6, $0xb8;
	[tilespmem:$0x8800] =	vst v63  }
0x40: {  	_ =	swait.ge [sflag:s13], $0x2000  }
0x41: {  	[sflag:s13] =	ssyncset.done $0x0  }
0x42: {  	[sflag:s13] =	ssyncadd.s32 $0xFFFFE000  }
0x43: {  	_ =	swait.ge [sflag:s13], $0x2000  }
0x44: {  	[sflag:s13] =	ssyncset.done $0x0  }
0x45: {  	[sflag:s13] =	ssyncadd.s32 $0xFFFFE000  }
0x46: {  	_ =	swait.ge [sflag:s13], $0x2000  }
0x47: {  	[sflag:s13] =	ssyncset.done $0x0  }
0x48: {  	[sflag:s13] =	ssyncadd.s32 $0xFFFFE000  }
0x49: {  	_ =	swait.ge [sflag:s13], $0x2000  }
0x4a: {  	[sflag:s13] =	ssyncset.done $0x0  }
0x4b: {  	s24 =	sadd.s32 $0x2000, s14;
	[sflag:s13] =	ssyncadd.s32 $0xFFFFE000  }
0x4c: {  	[hbm4b:s24+s2] =	stream.linear.scatter [tilespmem:s7], [sflag:$0x2], $0x8000, $0x38;
	[tilespmem:$0x8800] =	vst v63  }
0x4d: {  	_ =	swait.ge [sflag:s3], $0x8000  }
0x4e: {  	[sflag:s3] =	ssyncset.done $0x0  }
0x4f: {  	s25 =	simm.s32 $0x600;
	[sflag:s3] =	ssyncadd.s32 $0xFFFF8000  }
0x50: {  	[tilespmem:s7], [sflag:$0x1] =	stream.indirect.gather [hbm4b:s5+s6], $0x40, s25, s6, $0xb8;
	[tilespmem:$0x8800] =	vst v63  }
0x51: {  	s26 =	simm.s32 $0x680  }
0x52: {  	[tilespmem:s8], [sflag:$0x1] =	stream.indirect.gather [hbm4b:s5+s6], $0x40, s26, s6, $0xb8;
	[tilespmem:$0x8800] =	vst v63  }
0x53: {  	s28 =	simm.s32 $0x700  }
0x54: {  	[tilespmem:s10], [sflag:$0x1] =	stream.indirect.gather [hbm4b:s5+s6], $0x40, s28, s6, $0xb8;
	[tilespmem:$0x8800] =	vst v63  }
0x55: {  	s29 =	simm.s32 $0x780  }
0x56: {  	[tilespmem:s12], [sflag:$0x1] =	stream.indirect.gather [hbm4b:s5+s6], $0x40, s29, s6, $0xb8;
	[tilespmem:$0x8800] =	vst v63  }
0x57: {  	_ =	swait.ge [sflag:s13], $0x2000  }
0x58: {  	[sflag:s13] =	ssyncset.done $0x0  }
0x59: {  	[sflag:s13] =	ssyncadd.s32 $0xFFFFE000  }
0x5a: {  	_ =	swait.ge [sflag:s13], $0x2000  }
0x5b: {  	[sflag:s13] =	ssyncset.done $0x0  }
0x5c: {  	s30 =	ssub.s32 $0x2, s30;
	[sflag:s13] =	ssyncadd.s32 $0xFFFFE000  }
0x5d: {  	s31 =	sshrl.u32 s30, $0x1;
	_ =	swait.ge [sflag:s13], $0x2000  }
0x5e: {  	s30 =	ssub.s32 s30, s31;
	[sflag:s13] =	ssyncset.done $0x0  }
0x5f: {  	s31 =	smax.u32 s30, $0x1;
	[sflag:s13] =	ssyncadd.s32 $0xFFFFE000  }
0x60: {  	p0 =	sne.s32 s31, $0x1;
	_ =	swait.ge [sflag:s13], $0x2000  }
.Ltmp0:
0x61: {  	[sflag:s13] =	ssyncset.done $0x0;
	(pc) =	sbr.rel @!p0 .LBB2_2-.Ltmp0, $4  }
0x62: {  	s30 =	sadd.s32 $0x3000, s14;
	[sflag:s13] =	ssyncadd.s32 $0xFFFFE000  }
0x63: {  	[hbm4b:s30+s2] =	stream.linear.scatter [tilespmem:s7], [sflag:$0x2], $0x8000, $0x38;
	[tilespmem:$0x8800] =	vst v63  }
0x64: {  	_ =	swait.ge [sflag:s3], $0x8000  }
0x65: {  	s31 =	sadd.s32 $0xFFFFFFFF, s31;
	[sflag:s3] =	ssyncset.done $0x0  }
.LBB2_1:
0x66: {  	p0 =	sne.s32 s31, $0x1;
	s31 =	sadd.s32 $0xFFFFFFFF, s31;
	[sflag:s3] =	ssyncadd.s32 $0xFFFF8000  }
0x67: {  	[tilespmem:s2], [sflag:$0x2] =	stream.linear.gather [hbm4b:s4+s2], $0x800, $0x38;
	[tilespmem:$0x8800] =	vst v63  }
0x68: {  	_ =	swait.ge [sflag:s3], $0x800  }
0x69: {  	[sflag:s3] =	ssyncset.done $0x0  }
0x6a: {  	[sflag:s3] =	ssyncadd.s32 $0xFFFFF800  }
0x6b: {  	[tilespmem:s7], [sflag:$0x1] =	stream.indirect.gather [hbm4b:s5+s6], $0x40, s2, s6, $0xb8;
	[tilespmem:$0x8800] =	vst v63  }
0x6c: {  	_ = 	snop  }
0x6d: {  	[tilespmem:s8], [sflag:$0x1] =	stream.indirect.gather [hbm4b:s5+s6], $0x40, s6, s6, $0xb8;
	[tilespmem:$0x8800] =	vst v63  }
0x6e: {  	_ = 	snop  }
0x6f: {  	[tilespmem:s10], [sflag:$0x1] =	stream.indirect.gather [hbm4b:s5+s6], $0x40, s9, s6, $0xb8;
	[tilespmem:$0x8800] =	vst v63  }
0x70: {  	_ = 	snop  }
0x71: {  	[tilespmem:s12], [sflag:$0x1] =	stream.indirect.gather [hbm4b:s5+s6], $0x40, s11, s6, $0xb8;
	[tilespmem:$0x8800] =	vst v63  }
0x72: {  	_ =	swait.ge [sflag:s13], $0x2000  }
0x73: {  	[sflag:s13] =	ssyncset.done $0x0  }
0x74: {  	[sflag:s13] =	ssyncadd.s32 $0xFFFFE000  }
0x75: {  	_ =	swait.ge [sflag:s13], $0x2000  }
0x76: {  	[sflag:s13] =	ssyncset.done $0x0  }
0x77: {  	[sflag:s13] =	ssyncadd.s32 $0xFFFFE000  }
0x78: {  	_ =	swait.ge [sflag:s13], $0x2000  }
0x79: {  	[sflag:s13] =	ssyncset.done $0x0  }
0x7a: {  	[sflag:s13] =	ssyncadd.s32 $0xFFFFE000  }
0x7b: {  	_ =	swait.ge [sflag:s13], $0x2000  }
0x7c: {  	[sflag:s13] =	ssyncset.done $0x0  }
0x7d: {  	[sflag:s13] =	ssyncadd.s32 $0xFFFFE000  }
0x7e: {  	[hbm4b:s14+s2] =	stream.linear.scatter [tilespmem:s7], [sflag:$0x2], $0x8000, $0x38;
	[tilespmem:$0x8800] =	vst v63  }
0x7f: {  	_ =	swait.ge [sflag:s3], $0x8000  }
0x80: {  	[sflag:s3] =	ssyncset.done $0x0  }
0x81: {  	[sflag:s3] =	ssyncadd.s32 $0xFFFF8000  }
0x82: {  	[tilespmem:s7], [sflag:$0x1] =	stream.indirect.gather [hbm4b:s5+s6], $0x40, s15, s6, $0xb8;
	[tilespmem:$0x8800] =	vst v63  }
0x83: {  	_ = 	snop  }
0x84: {  	[tilespmem:s8], [sflag:$0x1] =	stream.indirect.gather [hbm4b:s5+s6], $0x40, s16, s6, $0xb8;
	[tilespmem:$0x8800] =	vst v63  }
0x85: {  	_ = 	snop  }
0x86: {  	[tilespmem:s10], [sflag:$0x1] =	stream.indirect.gather [hbm4b:s5+s6], $0x40, s17, s6, $0xb8;
	[tilespmem:$0x8800] =	vst v63  }
0x87: {  	_ = 	snop  }
0x88: {  	[tilespmem:s12], [sflag:$0x1] =	stream.indirect.gather [hbm4b:s5+s6], $0x40, s18, s6, $0xb8;
	[tilespmem:$0x8800] =	vst v63  }
0x89: {  	_ =	swait.ge [sflag:s13], $0x2000  }
0x8a: {  	[sflag:s13] =	ssyncset.done $0x0  }
0x8b: {  	[sflag:s13] =	ssyncadd.s32 $0xFFFFE000  }
0x8c: {  	_ =	swait.ge [sflag:s13], $0x2000  }
0x8d: {  	[sflag:s13] =	ssyncset.done $0x0  }
0x8e: {  	[sflag:s13] =	ssyncadd.s32 $0xFFFFE000  }
0x8f: {  	_ =	swait.ge [sflag:s13], $0x2000  }
0x90: {  	[sflag:s13] =	ssyncset.done $0x0  }
0x91: {  	[sflag:s13] =	ssyncadd.s32 $0xFFFFE000  }
0x92: {  	_ =	swait.ge [sflag:s13], $0x2000  }
0x93: {  	[sflag:s13] =	ssyncset.done $0x0  }
0x94: {  	[sflag:s13] =	ssyncadd.s32 $0xFFFFE000  }
0x95: {  	[hbm4b:s19+s2] =	stream.linear.scatter [tilespmem:s7], [sflag:$0x2], $0x8000, $0x38;
	[tilespmem:$0x8800] =	vst v63  }
0x96: {  	_ =	swait.ge [sflag:s3], $0x8000  }
0x97: {  	[sflag:s3] =	ssyncset.done $0x0  }
0x98: {  	[sflag:s3] =	ssyncadd.s32 $0xFFFF8000  }
0x99: {  	[tilespmem:s7], [sflag:$0x1] =	stream.indirect.gather [hbm4b:s5+s6], $0x40, s20, s6, $0xb8;
	[tilespmem:$0x8800] =	vst v63  }
0x9a: {  	_ = 	snop  }
0x9b: {  	[tilespmem:s8], [sflag:$0x1] =	stream.indirect.gather [hbm4b:s5+s6], $0x40, s21, s6, $0xb8;
	[tilespmem:$0x8800] =	vst v63  }
0x9c: {  	_ = 	snop  }
0x9d: {  	[tilespmem:s10], [sflag:$0x1] =	stream.indirect.gather [hbm4b:s5+s6], $0x40, s22, s6, $0xb8;
	[tilespmem:$0x8800] =	vst v63  }
0x9e: {  	_ = 	snop  }
0x9f: {  	[tilespmem:s12], [sflag:$0x1] =	stream.indirect.gather [hbm4b:s5+s6], $0x40, s23, s6, $0xb8;
	[tilespmem:$0x8800] =	vst v63  }
0xa0: {  	_ =	swait.ge [sflag:s13], $0x2000  }
0xa1: {  	[sflag:s13] =	ssyncset.done $0x0  }
0xa2: {  	[sflag:s13] =	ssyncadd.s32 $0xFFFFE000  }
0xa3: {  	_ =	swait.ge [sflag:s13], $0x2000  }
0xa4: {  	[sflag:s13] =	ssyncset.done $0x0  }
0xa5: {  	[sflag:s13] =	ssyncadd.s32 $0xFFFFE000  }
0xa6: {  	_ =	swait.ge [sflag:s13], $0x2000  }
0xa7: {  	[sflag:s13] =	ssyncset.done $0x0  }
0xa8: {  	[sflag:s13] =	ssyncadd.s32 $0xFFFFE000  }
0xa9: {  	_ =	swait.ge [sflag:s13], $0x2000  }
0xaa: {  	[sflag:s13] =	ssyncset.done $0x0  }
0xab: {  	[sflag:s13] =	ssyncadd.s32 $0xFFFFE000  }
0xac: {  	[hbm4b:s24+s2] =	stream.linear.scatter [tilespmem:s7], [sflag:$0x2], $0x8000, $0x38;
	[tilespmem:$0x8800] =	vst v63  }
0xad: {  	_ =	swait.ge [sflag:s3], $0x8000  }
0xae: {  	[sflag:s3] =	ssyncset.done $0x0  }
0xaf: {  	[sflag:s3] =	ssyncadd.s32 $0xFFFF8000  }
0xb0: {  	[tilespmem:s7], [sflag:$0x1] =	stream.indirect.gather [hbm4b:s5+s6], $0x40, s25, s6, $0xb8;
	[tilespmem:$0x8800] =	vst v63  }
0xb1: {  	_ = 	snop  }
0xb2: {  	[tilespmem:s8], [sflag:$0x1] =	stream.indirect.gather [hbm4b:s5+s6], $0x40, s26, s6, $0xb8;
	[tilespmem:$0x8800] =	vst v63  }
0xb3: {  	_ = 	snop  }
0xb4: {  	[tilespmem:s10], [sflag:$0x1] =	stream.indirect.gather [hbm4b:s5+s6], $0x40, s28, s6, $0xb8;
	[tilespmem:$0x8800] =	vst v63  }
0xb5: {  	_ = 	snop  }
0xb6: {  	[tilespmem:s12], [sflag:$0x1] =	stream.indirect.gather [hbm4b:s5+s6], $0x40, s29, s6, $0xb8;
	[tilespmem:$0x8800] =	vst v63  }
0xb7: {  	_ =	swait.ge [sflag:s13], $0x2000  }
0xb8: {  	[sflag:s13] =	ssyncset.done $0x0  }
0xb9: {  	[sflag:s13] =	ssyncadd.s32 $0xFFFFE000  }
0xba: {  	_ =	swait.ge [sflag:s13], $0x2000  }
0xbb: {  	[sflag:s13] =	ssyncset.done $0x0  }
0xbc: {  	[sflag:s13] =	ssyncadd.s32 $0xFFFFE000  }
0xbd: {  	_ =	swait.ge [sflag:s13], $0x2000  }
0xbe: {  	[sflag:s13] =	ssyncset.done $0x0  }
0xbf: {  	[sflag:s13] =	ssyncadd.s32 $0xFFFFE000  }
0xc0: {  	_ =	swait.ge [sflag:s13], $0x2000  }
.Ltmp1:
0xc1: {  	[sflag:s13] =	ssyncset.done $0x0;
	(pc) =	sbr.rel @p0 .LBB2_1-.Ltmp1, $4  }
0xc2: {  	[sflag:s13] =	ssyncadd.s32 $0xFFFFE000  }
0xc3: {  	[hbm4b:s30+s2] =	stream.linear.scatter [tilespmem:s7], [sflag:$0x2], $0x8000, $0x38;
	[tilespmem:$0x8800] =	vst v63  }
0xc4: {  	_ =	swait.ge [sflag:s3], $0x8000  }
0xc5: {  	[sflag:s3] =	ssyncset.done $0x0  }
.LBB2_2:
0xc6: {  	[sflag:s3] =	ssyncadd.s32 $0xFFFF8000  }
0xc7: {  	_ =	sfence.sel $0x180000  }
0xc8: {  	[bflag:$0x0] =	sbarrier.arrive $0xFFFF  }
0xc9: {  	p0 =	sne.s32 s0, $0x0;
	_ =	strace $0x90000047  }
0xca: {  	s0 =	sadd.s32 @!p0 $0x100000, s1;
	[bflag:$0x2] =	sbarrier.arrive $0xFFFF  }
0xcb: {  	[sflag:s0] =	ssyncadd.tile.s32 @!p0 $0x1;
	_ =	shalt  }
.Lfunc_end2:
_tile_overlayer_lowered:
.L_overlay_start_2:
0xcc: {  	(tag) =	ssettag $0x2  }
0xcd: {  	s0 =	rddreg [dreg:$0x0];
	s2 =	stileid.u32  }
0xce: {  	s1 =	rddreg [dreg:$0x1];
	p0 =	sne.s32 s2, $0x0  }
0xcf: {  	s3 =	rddreg [dreg:$0x2];
	[bflag:$0x3] =	sbarrier.arrive $0xFFFF;
	s2 =	simm.s32 @!p0 $0x1C02  }
0xd0: {  	[timem:s3], [sflag:s2] =	dma.local @!p0 [hbm:s0], s1  }
0xd1: {  	s0 =	simm.s32 @!p0 $0x2  }
0xd2: {  	_ =	swait.ge @!p0 [sflag:s0], s1  }
0xd3: {  	s1 =	ssub.s32 @!p0 $0x0, s1;
	[sflag:s0] =	ssyncset.done @!p0 $0x0  }
0xd4: {  	[sflag:s0] =	ssyncadd.s32 @!p0 s1  }
0xd5: {  	[bflag:$0x3] =	sbarrier.arrive $0xFFFF  }
0xd6: {  	_ =	shalt  }

</sc_bundles>
